<compile_context>
chip_gen: v7x
topology: tpu7x:2x2x1
jax: 0.10.2.dev20260603
libtpu: 0.0.44.dev20260713+nightly
codegen_flags: <defaults>
</compile_context>

<pallas_src>
import functools

import jax
import jax.numpy as jnp
from jax import lax
from jax.experimental import pallas as pl
from jax.experimental.pallas import tpu as pltpu
from jax.experimental.pallas import tpu_sc as plsc

N_NODES = 10000
D = 128
N_EDGES = 320000
BN_EPS = 1e-5

NC = 2
NS = 16
NW = NC * NS

CHUNK = 128
K = 80
E_PAD = NW * K * CHUNK
ROWS_PER_TILE = 632
LAST_ROWS = N_NODES - 15 * ROWS_PER_TILE
N_PAD = NS * ROWS_PER_TILE
IDX_SHIFT = 14
IDX_MASK = (1 << IDX_SHIFT) - 1


def _sc_aggregate(x, combo2):
    mesh = plsc.VectorSubcoreMesh(core_axis_name="c", subcore_axis_name="s")

    @functools.partial(
        pl.kernel,
        mesh=mesh,
        out_type=jax.ShapeDtypeStruct((NC, N_PAD, D), jnp.float32),
        scratch_types=[
            pltpu.VMEM((K, CHUNK), jnp.int32),
            pltpu.VMEM((CHUNK,), jnp.int32),
            pltpu.VMEM((CHUNK,), jnp.int32),
            pltpu.VMEM((CHUNK // 2,), jnp.int32),
            pltpu.VMEM((CHUNK // 2,), jnp.int32),
            pltpu.VMEM((CHUNK // 2,), jnp.int32),
            pltpu.VMEM((CHUNK // 2,), jnp.int32),
            pltpu.VMEM((CHUNK, D), jnp.float32),
            pltpu.VMEM((CHUNK, D), jnp.float32),
            pltpu.VMEM_SHARED((N_PAD, D), jnp.float32),
            pltpu.SemaphoreType.DMA,
            pltpu.SemaphoreType.DMA,
            pltpu.SemaphoreType.DMA,
            pltpu.SemaphoreType.DMA,
            pltpu.SemaphoreType.DMA,
            pltpu.SemaphoreType.DMA,
        ],
    )
    def agg_kernel(x_hbm, combo_hbm, zero_hbm, out_hbm, combo_v, s0, s1,
                   d0a, d0b, d1a, d1b, b0, b1, acc,
                   g0, g1, sa0, sb0, sa1, sb1):
        bufs = (b0, b1)
        srcs = (s0, s1)
        dsts_lo = (d0a, d1a)
        dsts_hi = (d0b, d1b)
        gsems = (g0, g1)
        ssems_lo = (sa0, sa1)
        ssems_hi = (sb0, sb1)
        cid = lax.axis_index("c")
        sid = lax.axis_index("s")
        wid = cid * NS + sid

        pltpu.sync_copy(combo_hbm.at[pl.ds(wid * K, K)], combo_v)

        row0 = sid * ROWS_PER_TILE

        @pl.when(jnp.logical_and(cid == 1, sid < NS - 1))
        def _():
            pltpu.sync_copy(x_hbm.at[pl.ds(row0, ROWS_PER_TILE)],
                            acc.at[pl.ds(row0, ROWS_PER_TILE)])

        @pl.when(jnp.logical_and(cid == 1, sid == NS - 1))
        def _():
            pltpu.sync_copy(x_hbm.at[pl.ds((NS - 1) * ROWS_PER_TILE, LAST_ROWS)],
                            acc.at[pl.ds((NS - 1) * ROWS_PER_TILE, LAST_ROWS)])

        @pl.when(jnp.logical_and(cid == 0, sid < NS - 1))
        def _():
            pltpu.sync_copy(zero_hbm, acc.at[pl.ds(row0, ROWS_PER_TILE)])

        @pl.when(jnp.logical_and(cid == 0, sid == NS - 1))
        def _():
            pltpu.sync_copy(zero_hbm.at[pl.ds(0, LAST_ROWS)],
                            acc.at[pl.ds((NS - 1) * ROWS_PER_TILE, LAST_ROWS)])

        plsc.subcore_barrier()

        def unpack_idx(c, slot):
            half = CHUNK // 32
            for i in range(CHUNK // 16):
                w = combo_v[c, pl.ds(i * 16, 16)]
                srcs[slot][pl.ds(i * 16, 16)] = w & IDX_MASK
                d = lax.shift_right_logical(w, IDX_SHIFT)
                if i < half:
                    dsts_lo[slot][pl.ds(i * 16, 16)] = d
                else:
                    dsts_hi[slot][pl.ds((i - half) * 16, 16)] = d

        H = CHUNK // 2

        def gstart(b):
            pltpu.async_copy(x_hbm.at[srcs[b]], bufs[b], gsems[b])

        def gwait(b):
            pltpu.make_async_copy(x_hbm.at[srcs[b]], bufs[b], gsems[b]).wait()

        def sstart(b):
            pltpu.async_copy(bufs[b].at[pl.ds(0, H)], acc.at[dsts_lo[b]],
                             ssems_lo[b], add=True)
            pltpu.async_copy(bufs[b].at[pl.ds(H, H)], acc.at[dsts_hi[b]],
                             ssems_hi[b], add=True)

        def swait(b):
            pltpu.make_async_copy(bufs[b].at[pl.ds(0, H)], acc.at[dsts_lo[b]],
                                  ssems_lo[b]).wait()
            pltpu.make_async_copy(bufs[b].at[pl.ds(H, H)], acc.at[dsts_hi[b]],
                                  ssems_hi[b]).wait()

        unpack_idx(0, 0)
        gstart(0)
        unpack_idx(1, 1)
        gstart(1)
        gwait(0)
        sstart(0)

        def step(t, b):
            swait(b)
            unpack_idx(t, b)
            gstart(b)
            gwait(1 - b)
            sstart(1 - b)

        def body(m, carry):
            step(2 * m + 2, 0)
            step(2 * m + 3, 1)
            return carry

        lax.fori_loop(0, (K - 2) // 2, body, 0)

        gwait(1)
        sstart(1)
        swait(0)
        swait(1)

        plsc.subcore_barrier()

        pltpu.sync_copy(acc.at[pl.ds(row0, ROWS_PER_TILE)],
                        out_hbm.at[cid, pl.ds(row0, ROWS_PER_TILE)])

    return agg_kernel(x, combo2, jnp.zeros((ROWS_PER_TILE, D), jnp.float32))


BR = 2000



def _mlp_body(p_ref, w1_ref, b1_ref, g1_ref, be1_ref, m1_ref, v1_ref,
              w2_ref, b2_ref, g2_ref, be2_ref, m2_ref, v2_ref, w3_ref, b3_ref,
              o_ref):
    s1 = g1_ref[...] * lax.rsqrt(v1_ref[...] + BN_EPS)
    c1 = (b1_ref[...] - m1_ref[...]) * s1 + be1_ref[...]
    s2 = g2_ref[...] * lax.rsqrt(v2_ref[...] + BN_EPS)
    c2 = (b2_ref[...] - m2_ref[...]) * s2 + be2_ref[...]
    h = p_ref[0] + p_ref[1]
    h = jnp.maximum(jnp.dot(h, w1_ref[...] * s1,
                            preferred_element_type=jnp.float32) + c1, 0.0)
    h = jnp.maximum(jnp.dot(h, w2_ref[...] * s2,
                            preferred_element_type=jnp.float32) + c2, 0.0)
    o_ref[...] = (jnp.dot(h, w3_ref[...], preferred_element_type=jnp.float32)
                  + b3_ref[...])


def _tc_mlp(parts, *weights):
    grid = N_NODES // BR
    wspecs = []
    for w in weights:
        if w.ndim == 2:
            wspecs.append(pl.BlockSpec((D, D), lambda i: (0, 0)))
        else:
            wspecs.append(pl.BlockSpec((1, D), lambda i: (0, 0)))
    return pl.pallas_call(
        _mlp_body,
        grid=(grid,),
        in_specs=[
            pl.BlockSpec((NC, BR, D), lambda i: (0, i, 0)),
            *wspecs,
        ],
        out_specs=pl.BlockSpec((BR, D), lambda i: (i, 0)),
        out_shape=jax.ShapeDtypeStruct((N_NODES, D), jnp.float32),
    )(parts, *(w.reshape(1, D) if w.ndim == 1 else w for w in weights))


BE = 32768


def _pack_body(e_ref, o_ref):
    i = pl.program_id(0)
    e = e_ref[...]
    packed = jnp.bitwise_or(jnp.left_shift(e[1], IDX_SHIFT),
                            e[0]).reshape(BE // CHUNK, CHUNK)
    flat = (i * BE
            + jax.lax.broadcasted_iota(jnp.int32, (BE // CHUNK, CHUNK), 0)
            * CHUNK
            + jax.lax.broadcasted_iota(jnp.int32, (BE // CHUNK, CHUNK), 1))
    p = jnp.maximum(flat - N_EDGES, 0)
    padv = jnp.bitwise_or(
        jnp.left_shift(N_NODES + p % (N_PAD - N_NODES), IDX_SHIFT),
        (p * 13) % N_NODES)
    o_ref[...] = jnp.where(flat < N_EDGES, packed, padv)


def _tc_pack(edge_index):
    grid = E_PAD // BE
    return pl.pallas_call(
        _pack_body,
        grid=(grid,),
        in_specs=[pl.BlockSpec((2, BE), lambda i: (0, i))],
        out_specs=pl.BlockSpec((BE // CHUNK, CHUNK), lambda i: (i, 0)),
        out_shape=jax.ShapeDtypeStruct((E_PAD // CHUNK, CHUNK), jnp.int32),
    )(edge_index)


def kernel(x, edge_index, W1, b1, g1, be1, m1, v1, W2, b2, g2, be2, m2, v2, W3, b3):
    combo2 = _tc_pack(edge_index.astype(jnp.int32))

    parts = _sc_aggregate(x, combo2)

    return _tc_mlp(parts, W1, b1, g1, be1, m1, v1,
                   W2, b2, g2, be2, m2, v2, W3, b3)

# --- scband reference (transcript-rebuilt; emitter-appended) ---
"""Pipeline reference for scband-gin-41128606826859 (READ-ONLY COPY).

The authoritative reference and input builder live on the scoring server;
editing this copy changes nothing except your own understanding.
"""

import jax, jax.numpy as jnp
import numpy as np

N_NODES = 10000
D_IN = 128
D_HID = 128
D_OUT = 128
N_EDGES = 320000
BN_EPS = 1e-5


def setup_inputs(seed: int = 0) -> dict:
    key = jax.random.key(seed)
    ks = jax.random.split(key, 12)
    x = jax.random.normal(ks[0], (N_NODES, D_IN), dtype=jnp.float32)
    edge_index = jax.random.randint(ks[1], (2, N_EDGES), 0, N_NODES, dtype=jnp.int64 if jax.config.jax_enable_x64 else jnp.int32)
    def lin_init(k, fan_in, fan_out):
        bound = 1.0 / np.sqrt(fan_in)
        kw, kb = jax.random.split(k)
        W = jax.random.uniform(kw, (fan_in, fan_out), minval=-bound, maxval=bound, dtype=jnp.float32)
        b = jax.random.uniform(kb, (fan_out,), minval=-bound, maxval=bound, dtype=jnp.float32)
        return W, b
    W1, b1 = lin_init(ks[2], D_IN, D_HID)
    W2, b2 = lin_init(ks[3], D_HID, D_HID)
    W3, b3 = lin_init(ks[4], D_HID, D_OUT)
    g1 = jnp.ones((D_HID,), jnp.float32); be1 = jnp.zeros((D_HID,), jnp.float32)
    m1 = jnp.zeros((D_HID,), jnp.float32); v1 = jnp.ones((D_HID,), jnp.float32)
    g2 = jnp.ones((D_HID,), jnp.float32); be2 = jnp.zeros((D_HID,), jnp.float32)
    m2 = jnp.zeros((D_HID,), jnp.float32); v2 = jnp.ones((D_HID,), jnp.float32)
    return {"x": x, "edge_index": edge_index,
            "W1": W1, "b1": b1, "g1": g1, "be1": be1, "m1": m1, "v1": v1,
            "W2": W2, "b2": b2, "g2": g2, "be2": be2, "m2": m2, "v2": v2,
            "W3": W3, "b3": b3}


def _batchnorm_eval(h, gamma, beta, mean, var):
    return (h - mean) * jax.lax.rsqrt(var + BN_EPS) * gamma + beta


def reference(x, edge_index, W1, b1, g1, be1, m1, v1, W2, b2, g2, be2, m2, v2, W3, b3):
    # GINConv (eps=0): h_i = MLP( x_i + sum_{j in N(i)} x_j )
    src = edge_index[0]
    dst = edge_index[1]
    msgs = jnp.take(x, src, axis=0)                      # gather  [E, d]
    agg = jax.ops.segment_sum(msgs, dst, num_segments=N_NODES)  # scatter-add
    h = x + agg                                           # (1 + eps) * x + agg, eps = 0
    # MLP (eval mode: Dropout = identity, BatchNorm uses running stats)
    h = h @ W1 + b1
    h = _batchnorm_eval(h, g1, be1, m1, v1)
    h = jax.nn.relu(h)
    h = h @ W2 + b2
    h = _batchnorm_eval(h, g2, be2, m2, v2)
    h = jax.nn.relu(h)
    h = h @ W3 + b3
    return h

if __name__ == "__main__":
    import jax
    _d = setup_inputs()
    print(jax.jit(kernel)(*tuple(_d.values())))

</pallas_src>

<mosaic_0001>
#map = affine_map<(d0, d1) -> (0, 0)>
#map1 = affine_map<(d0, d1) -> (0, 0, 0)>
module attributes {stable_mosaic.version = 14 : i64} {
  func.func @agg_kernel(%arg0: i32, %arg1: i32, %arg2: memref<10000x128xf32, #tpu.memory_space<hbm>>, %arg3: memref<2560x128xi32, #tpu.memory_space<hbm>>, %arg4: memref<632x128xf32, #tpu.memory_space<hbm>>, %arg5: memref<2x10112x128xf32, #tpu.memory_space<hbm>>, %arg6: memref<80x128xi32, #tpu.memory_space<vmem>>, %arg7: memref<128xi32, #tpu.memory_space<vmem>>, %arg8: memref<128xi32, #tpu.memory_space<vmem>>, %arg9: memref<64xi32, #tpu.memory_space<vmem>>, %arg10: memref<64xi32, #tpu.memory_space<vmem>>, %arg11: memref<64xi32, #tpu.memory_space<vmem>>, %arg12: memref<64xi32, #tpu.memory_space<vmem>>, %arg13: memref<128x128xf32, #tpu.memory_space<vmem>>, %arg14: memref<128x128xf32, #tpu.memory_space<vmem>>, %arg15: memref<10112x128xf32, #tpu.memory_space<vmem_shared>>, %arg16: memref<!tpu.dma_semaphore, #tpu.memory_space<semaphore_mem>>, %arg17: memref<!tpu.dma_semaphore, #tpu.memory_space<semaphore_mem>>, %arg18: memref<!tpu.dma_semaphore, #tpu.memory_space<semaphore_mem>>, %arg19: memref<!tpu.dma_semaphore, #tpu.memory_space<semaphore_mem>>, %arg20: memref<!tpu.dma_semaphore, #tpu.memory_space<semaphore_mem>>, %arg21: memref<!tpu.dma_semaphore, #tpu.memory_space<semaphore_mem>>) attributes {dimension_semantics = [#tpu.dimension_semantics<core_parallel>, #tpu.dimension_semantics<subcore_parallel>], iteration_bounds = array<i64: 2, 16>, scalar_prefetch = 0 : i64, scratch_operands = 16 : i64, tpu.core_type = #tpu.core_type<sc_vector_subcore>, window_params = [{transform_indices = #map}, {transform_indices = #map}, {transform_indices = #map}, {transform_indices = #map1}]} {
    %mul3A = arith.constant 16 : i32
    %mul3A_0 = arith.muli %arg0, %mul3A : i32
    %add3A = arith.addi %mul3A_0, %arg1 : i32
    %mul3A_1 = arith.constant 80 : i32
    %mul3A_2 = arith.muli %add3A, %mul3A_1 : i32
    "tpu.region"() ({
      %run_scoped3A = tpu.sem_alloc : memref<!tpu.dma_semaphore, #tpu.memory_space<semaphore_mem>>
      %dma_start3A_397 = arith.constant 0 : i32
      %dma_start3A_398 = tpu.memref_slice %arg3[%mul3A_2, %dma_start3A_397] : memref<2560x128xi32, #tpu.memory_space<hbm>> -> memref<80x128xi32, #tpu.memory_space<hbm>>
      %dma_start3A_399 = arith.constant 0 : i32
      %dma_start3A_400 = tpu.memref_slice %arg3[%mul3A_2, %dma_start3A_399] : memref<2560x128xi32, #tpu.memory_space<hbm>> -> memref<80x128xi32, #tpu.memory_space<hbm>>
      tpu.enqueue_dma source(%dma_start3A_400 : memref<80x128xi32, #tpu.memory_space<hbm>>) target(%arg6 : memref<80x128xi32, #tpu.memory_space<vmem>>) target_semaphore(%run_scoped3A : memref<!tpu.dma_semaphore, #tpu.memory_space<semaphore_mem>>)
      %dma_wait3A_401 = arith.constant 0 : i32
      %dma_wait3A_402 = tpu.memref_slice %arg3[%mul3A_2, %dma_wait3A_401] : memref<2560x128xi32, #tpu.memory_space<hbm>> -> memref<80x128xi32, #tpu.memory_space<hbm>>
      %dma_wait3A_403 = arith.constant 0 : i32
      %dma_wait3A_404 = tpu.memref_slice %arg3[%mul3A_2, %dma_wait3A_403] : memref<2560x128xi32, #tpu.memory_space<hbm>> -> memref<80x128xi32, #tpu.memory_space<hbm>>
      tpu.wait_dma2 semaphore(%run_scoped3A : memref<!tpu.dma_semaphore, #tpu.memory_space<semaphore_mem>>) src(%dma_wait3A_404 : memref<80x128xi32, #tpu.memory_space<hbm>>) dst(%arg6 : memref<80x128xi32, #tpu.memory_space<vmem>>)
      tpu.yield
    }) : () -> ()
    %mul3A_3 = arith.constant 632 : i32
    %mul3A_4 = arith.muli %arg1, %mul3A_3 : i32
    %eq3A = arith.constant 1 : i32
    %eq3A_5 = arith.cmpi eq, %arg0, %eq3A : i32
    %lt3A = arith.constant 15 : i32
    %lt3A_6 = arith.cmpi slt, %arg1, %lt3A : i32
    %and3A = arith.andi %eq3A_5, %lt3A_6 : i1
    %convert_element_type3A = arith.extui %and3A : i1 to i32
    %cond3A = arith.constant 0 : i32
    %cond3A_7 = arith.cmpi ne, %convert_element_type3A, %cond3A : i32
    scf.if %cond3A_7 {
      "tpu.region"() ({
        %run_scoped3A = tpu.sem_alloc : memref<!tpu.dma_semaphore, #tpu.memory_space<semaphore_mem>>
        %dma_start3A_397 = arith.constant 0 : i32
        %dma_start3A_398 = tpu.memref_slice %arg15[%mul3A_4, %dma_start3A_397] : memref<10112x128xf32, #tpu.memory_space<vmem_shared>> -> memref<632x128xf32, #tpu.memory_space<vmem_shared>>
        %dma_start3A_399 = arith.constant 0 : i32
        %dma_start3A_400 = tpu.memref_slice %arg2[%mul3A_4, %dma_start3A_399] : memref<10000x128xf32, #tpu.memory_space<hbm>> -> memref<632x128xf32, #tpu.memory_space<hbm>>
        tpu.enqueue_dma source(%dma_start3A_400 : memref<632x128xf32, #tpu.memory_space<hbm>>) target(%dma_start3A_398 : memref<632x128xf32, #tpu.memory_space<vmem_shared>>) target_semaphore(%run_scoped3A : memref<!tpu.dma_semaphore, #tpu.memory_space<semaphore_mem>>)
        %dma_wait3A_401 = arith.constant 0 : i32
        %dma_wait3A_402 = tpu.memref_slice %arg15[%mul3A_4, %dma_wait3A_401] : memref<10112x128xf32, #tpu.memory_space<vmem_shared>> -> memref<632x128xf32, #tpu.memory_space<vmem_shared>>
        %dma_wait3A_403 = arith.constant 0 : i32
        %dma_wait3A_404 = tpu.memref_slice %arg2[%mul3A_4, %dma_wait3A_403] : memref<10000x128xf32, #tpu.memory_space<hbm>> -> memref<632x128xf32, #tpu.memory_space<hbm>>
        tpu.wait_dma2 semaphore(%run_scoped3A : memref<!tpu.dma_semaphore, #tpu.memory_space<semaphore_mem>>) src(%dma_wait3A_404 : memref<632x128xf32, #tpu.memory_space<hbm>>) dst(%dma_wait3A_402 : memref<632x128xf32, #tpu.memory_space<vmem_shared>>)
        tpu.yield
      }) : () -> ()
    } else {
    }
    %eq3A_8 = arith.constant 1 : i32
    %eq3A_9 = arith.cmpi eq, %arg0, %eq3A_8 : i32
    %eq3A_10 = arith.constant 15 : i32
    %eq3A_11 = arith.cmpi eq, %arg1, %eq3A_10 : i32
    %and3A_12 = arith.andi %eq3A_9, %eq3A_11 : i1
    %convert_element_type3A_13 = arith.extui %and3A_12 : i1 to i32
    %cond3A_14 = arith.constant 0 : i32
    %cond3A_15 = arith.cmpi ne, %convert_element_type3A_13, %cond3A_14 : i32
    scf.if %cond3A_15 {
      "tpu.region"() ({
        %run_scoped3A = tpu.sem_alloc : memref<!tpu.dma_semaphore, #tpu.memory_space<semaphore_mem>>
        %dma_start3A_397 = arith.constant 9480 : i32
        %dma_start3A_398 = arith.constant 0 : i32
        %dma_start3A_399 = tpu.memref_slice %arg15[%dma_start3A_397, %dma_start3A_398] : memref<10112x128xf32, #tpu.memory_space<vmem_shared>> -> memref<520x128xf32, #tpu.memory_space<vmem_shared>>
        %dma_start3A_400 = arith.constant 9480 : i32
        %dma_start3A_401 = arith.constant 0 : i32
        %dma_start3A_402 = tpu.memref_slice %arg2[%dma_start3A_400, %dma_start3A_401] : memref<10000x128xf32, #tpu.memory_space<hbm>> -> memref<520x128xf32, #tpu.memory_space<hbm>>
        tpu.enqueue_dma source(%dma_start3A_402 : memref<520x128xf32, #tpu.memory_space<hbm>>) target(%dma_start3A_399 : memref<520x128xf32, #tpu.memory_space<vmem_shared>>) target_semaphore(%run_scoped3A : memref<!tpu.dma_semaphore, #tpu.memory_space<semaphore_mem>>)
        %dma_wait3A_403 = arith.constant 9480 : i32
        %dma_wait3A_404 = arith.constant 0 : i32
        %dma_wait3A_405 = tpu.memref_slice %arg15[%dma_wait3A_403, %dma_wait3A_404] : memref<10112x128xf32, #tpu.memory_space<vmem_shared>> -> memref<520x128xf32, #tpu.memory_space<vmem_shared>>
        %dma_wait3A_406 = arith.constant 9480 : i32
        %dma_wait3A_407 = arith.constant 0 : i32
        %dma_wait3A_408 = tpu.memref_slice %arg2[%dma_wait3A_406, %dma_wait3A_407] : memref<10000x128xf32, #tpu.memory_space<hbm>> -> memref<520x128xf32, #tpu.memory_space<hbm>>
        tpu.wait_dma2 semaphore(%run_scoped3A : memref<!tpu.dma_semaphore, #tpu.memory_space<semaphore_mem>>) src(%dma_wait3A_408 : memref<520x128xf32, #tpu.memory_space<hbm>>) dst(%dma_wait3A_405 : memref<520x128xf32, #tpu.memory_space<vmem_shared>>)
        tpu.yield
      }) : () -> ()
    } else {
    }
    %eq3A_16 = arith.constant 0 : i32
    %eq3A_17 = arith.cmpi eq, %arg0, %eq3A_16 : i32
    %lt3A_18 = arith.constant 15 : i32
    %lt3A_19 = arith.cmpi slt, %arg1, %lt3A_18 : i32
    %and3A_20 = arith.andi %eq3A_17, %lt3A_19 : i1
    %convert_element_type3A_21 = arith.extui %and3A_20 : i1 to i32
    %cond3A_22 = arith.constant 0 : i32
    %cond3A_23 = arith.cmpi ne, %convert_element_type3A_21, %cond3A_22 : i32
    scf.if %cond3A_23 {
      "tpu.region"() ({
        %run_scoped3A = tpu.sem_alloc : memref<!tpu.dma_semaphore, #tpu.memory_space<semaphore_mem>>
        %dma_start3A_397 = arith.constant 0 : i32
        %dma_start3A_398 = tpu.memref_slice %arg15[%mul3A_4, %dma_start3A_397] : memref<10112x128xf32, #tpu.memory_space<vmem_shared>> -> memref<632x128xf32, #tpu.memory_space<vmem_shared>>
        tpu.enqueue_dma source(%arg4 : memref<632x128xf32, #tpu.memory_space<hbm>>) target(%dma_start3A_398 : memref<632x128xf32, #tpu.memory_space<vmem_shared>>) target_semaphore(%run_scoped3A : memref<!tpu.dma_semaphore, #tpu.memory_space<semaphore_mem>>)
        %dma_wait3A_399 = arith.constant 0 : i32
        %dma_wait3A_400 = tpu.memref_slice %arg15[%mul3A_4, %dma_wait3A_399] : memref<10112x128xf32, #tpu.memory_space<vmem_shared>> -> memref<632x128xf32, #tpu.memory_space<vmem_shared>>
        tpu.wait_dma2 semaphore(%run_scoped3A : memref<!tpu.dma_semaphore, #tpu.memory_space<semaphore_mem>>) src(%arg4 : memref<632x128xf32, #tpu.memory_space<hbm>>) dst(%dma_wait3A_400 : memref<632x128xf32, #tpu.memory_space<vmem_shared>>)
        tpu.yield
      }) : () -> ()
    } else {
    }
    %eq3A_24 = arith.constant 0 : i32
    %eq3A_25 = arith.cmpi eq, %arg0, %eq3A_24 : i32
    %eq3A_26 = arith.constant 15 : i32
    %eq3A_27 = arith.cmpi eq, %arg1, %eq3A_26 : i32
    %and3A_28 = arith.andi %eq3A_25, %eq3A_27 : i1
    %convert_element_type3A_29 = arith.extui %and3A_28 : i1 to i32
    %cond3A_30 = arith.constant 0 : i32
    %cond3A_31 = arith.cmpi ne, %convert_element_type3A_29, %cond3A_30 : i32
    scf.if %cond3A_31 {
      "tpu.region"() ({
        %run_scoped3A = tpu.sem_alloc : memref<!tpu.dma_semaphore, #tpu.memory_space<semaphore_mem>>
        %dma_start3A_397 = arith.constant 9480 : i32
        %dma_start3A_398 = arith.constant 0 : i32
        %dma_start3A_399 = tpu.memref_slice %arg15[%dma_start3A_397, %dma_start3A_398] : memref<10112x128xf32, #tpu.memory_space<vmem_shared>> -> memref<520x128xf32, #tpu.memory_space<vmem_shared>>
        %dma_start3A_400 = arith.constant 0 : i32
        %dma_start3A_401 = arith.constant 0 : i32
        %dma_start3A_402 = tpu.memref_slice %arg4[%dma_start3A_400, %dma_start3A_401] : memref<632x128xf32, #tpu.memory_space<hbm>> -> memref<520x128xf32, #tpu.memory_space<hbm>>
        tpu.enqueue_dma source(%dma_start3A_402 : memref<520x128xf32, #tpu.memory_space<hbm>>) target(%dma_start3A_399 : memref<520x128xf32, #tpu.memory_space<vmem_shared>>) target_semaphore(%run_scoped3A : memref<!tpu.dma_semaphore, #tpu.memory_space<semaphore_mem>>)
        %dma_wait3A_403 = arith.constant 9480 : i32
        %dma_wait3A_404 = arith.constant 0 : i32
        %dma_wait3A_405 = tpu.memref_slice %arg15[%dma_wait3A_403, %dma_wait3A_404] : memref<10112x128xf32, #tpu.memory_space<vmem_shared>> -> memref<520x128xf32, #tpu.memory_space<vmem_shared>>
        %dma_wait3A_406 = arith.constant 0 : i32
        %dma_wait3A_407 = arith.constant 0 : i32
        %dma_wait3A_408 = tpu.memref_slice %arg4[%dma_wait3A_406, %dma_wait3A_407] : memref<632x128xf32, #tpu.memory_space<hbm>> -> memref<520x128xf32, #tpu.memory_space<hbm>>
        tpu.wait_dma2 semaphore(%run_scoped3A : memref<!tpu.dma_semaphore, #tpu.memory_space<semaphore_mem>>) src(%dma_wait3A_408 : memref<520x128xf32, #tpu.memory_space<hbm>>) dst(%dma_wait3A_405 : memref<520x128xf32, #tpu.memory_space<vmem_shared>>)
        tpu.yield
      }) : () -> ()
    } else {
    }
    %barrier3A = arith.constant 0 : index
    tpu.barrier barrier_id(%barrier3A)
    %get3A = arith.constant 0 : i32
    %get3A_32 = arith.index_cast %get3A : i32 to index
    %get3A_33 = arith.constant 0 : index
    %get3A_34 = tpu.vector_load %arg6[%get3A_32, %get3A_33] {strides = array<i32>} : memref<80x128xi32, #tpu.memory_space<vmem>>, vector<1x16xi32>,
    %get3A_35 = vector.shape_cast %get3A_34 : vector<1x16xi32> to vector<16xi32>
    %and3A_36 = arith.constant 16383 : i32
    %and3A_37 = vector.broadcast %and3A_36 : i32 to vector<16xi32>
    %and3A_38 = arith.andi %get3A_35, %and3A_37 : vector<16xi32>
    %swap3A = arith.constant 0 : index
    %swap3A_39 = tpu.vector_load %arg7[%swap3A] {strides = array<i32>} : memref<128xi32, #tpu.memory_space<vmem>>, vector<16xi32>,
    %swap3A_40 = vector.shape_cast %swap3A_39 : vector<16xi32> to vector<16xi32>
    %swap3A_41 = vector.shape_cast %and3A_38 : vector<16xi32> to vector<16xi32>
    tpu.vector_store %arg7[%swap3A], %swap3A_41 {strides = array<i32>} : memref<128xi32, #tpu.memory_space<vmem>>, vector<16xi32>,
    %shift_right_logical3A = arith.constant 14 : i32
    %shift_right_logical3A_42 = vector.broadcast %shift_right_logical3A : i32 to vector<16xi32>
    %shift_right_logical3A_43 = arith.shrui %get3A_35, %shift_right_logical3A_42 : vector<16xi32>
    %swap3A_44 = arith.constant 0 : index
    %swap3A_45 = tpu.vector_load %arg9[%swap3A_44] {strides = array<i32>} : memref<64xi32, #tpu.memory_space<vmem>>, vector<16xi32>,
    %swap3A_46 = vector.shape_cast %swap3A_45 : vector<16xi32> to vector<16xi32>
    %swap3A_47 = vector.shape_cast %shift_right_logical3A_43 : vector<16xi32> to vector<16xi32>
    tpu.vector_store %arg9[%swap3A_44], %swap3A_47 {strides = array<i32>} : memref<64xi32, #tpu.memory_space<vmem>>, vector<16xi32>,
    %get3A_48 = arith.constant 0 : i32
    %get3A_49 = arith.index_cast %get3A_48 : i32 to index
    %get3A_50 = arith.constant 16 : index
    %get3A_51 = tpu.vector_load %arg6[%get3A_49, %get3A_50] {strides = array<i32>} : memref<80x128xi32, #tpu.memory_space<vmem>>, vector<1x16xi32>,
    %get3A_52 = vector.shape_cast %get3A_51 : vector<1x16xi32> to vector<16xi32>
    %and3A_53 = arith.constant 16383 : i32
    %and3A_54 = vector.broadcast %and3A_53 : i32 to vector<16xi32>
    %and3A_55 = arith.andi %get3A_52, %and3A_54 : vector<16xi32>
    %swap3A_56 = arith.constant 16 : index
    %swap3A_57 = tpu.vector_load %arg7[%swap3A_56] {strides = array<i32>} : memref<128xi32, #tpu.memory_space<vmem>>, vector<16xi32>,
    %swap3A_58 = vector.shape_cast %swap3A_57 : vector<16xi32> to vector<16xi32>
    %swap3A_59 = vector.shape_cast %and3A_55 : vector<16xi32> to vector<16xi32>
    tpu.vector_store %arg7[%swap3A_56], %swap3A_59 {strides = array<i32>} : memref<128xi32, #tpu.memory_space<vmem>>, vector<16xi32>,
    %shift_right_logical3A_60 = arith.constant 14 : i32
    %shift_right_logical3A_61 = vector.broadcast %shift_right_logical3A_60 : i32 to vector<16xi32>
    %shift_right_logical3A_62 = arith.shrui %get3A_52, %shift_right_logical3A_61 : vector<16xi32>
    %swap3A_63 = arith.constant 16 : index
    %swap3A_64 = tpu.vector_load %arg9[%swap3A_63] {strides = array<i32>} : memref<64xi32, #tpu.memory_space<vmem>>, vector<16xi32>,
    %swap3A_65 = vector.shape_cast %swap3A_64 : vector<16xi32> to vector<16xi32>
    %swap3A_66 = vector.shape_cast %shift_right_logical3A_62 : vector<16xi32> to vector<16xi32>
    tpu.vector_store %arg9[%swap3A_63], %swap3A_66 {strides = array<i32>} : memref<64xi32, #tpu.memory_space<vmem>>, vector<16xi32>,
    %get3A_67 = arith.constant 0 : i32
    %get3A_68 = arith.index_cast %get3A_67 : i32 to index
    %get3A_69 = arith.constant 32 : index
    %get3A_70 = tpu.vector_load %arg6[%get3A_68, %get3A_69] {strides = array<i32>} : memref<80x128xi32, #tpu.memory_space<vmem>>, vector<1x16xi32>,
    %get3A_71 = vector.shape_cast %get3A_70 : vector<1x16xi32> to vector<16xi32>
    %and3A_72 = arith.constant 16383 : i32
    %and3A_73 = vector.broadcast %and3A_72 : i32 to vector<16xi32>
    %and3A_74 = arith.andi %get3A_71, %and3A_73 : vector<16xi32>
    %swap3A_75 = arith.constant 32 : index
    %swap3A_76 = tpu.vector_load %arg7[%swap3A_75] {strides = array<i32>} : memref<128xi32, #tpu.memory_space<vmem>>, vector<16xi32>,
    %swap3A_77 = vector.shape_cast %swap3A_76 : vector<16xi32> to vector<16xi32>
    %swap3A_78 = vector.shape_cast %and3A_74 : vector<16xi32> to vector<16xi32>
    tpu.vector_store %arg7[%swap3A_75], %swap3A_78 {strides = array<i32>} : memref<128xi32, #tpu.memory_space<vmem>>, vector<16xi32>,
    %shift_right_logical3A_79 = arith.constant 14 : i32
    %shift_right_logical3A_80 = vector.broadcast %shift_right_logical3A_79 : i32 to vector<16xi32>
    %shift_right_logical3A_81 = arith.shrui %get3A_71, %shift_right_logical3A_80 : vector<16xi32>
    %swap3A_82 = arith.constant 32 : index
    %swap3A_83 = tpu.vector_load %arg9[%swap3A_82] {strides = array<i32>} : memref<64xi32, #tpu.memory_space<vmem>>, vector<16xi32>,
    %swap3A_84 = vector.shape_cast %swap3A_83 : vector<16xi32> to vector<16xi32>
    %swap3A_85 = vector.shape_cast %shift_right_logical3A_81 : vector<16xi32> to vector<16xi32>
    tpu.vector_store %arg9[%swap3A_82], %swap3A_85 {strides = array<i32>} : memref<64xi32, #tpu.memory_space<vmem>>, vector<16xi32>,
    %get3A_86 = arith.constant 0 : i32
    %get3A_87 = arith.index_cast %get3A_86 : i32 to index
    %get3A_88 = arith.constant 48 : index
    %get3A_89 = tpu.vector_load %arg6[%get3A_87, %get3A_88] {strides = array<i32>} : memref<80x128xi32, #tpu.memory_space<vmem>>, vector<1x16xi32>,
    %get3A_90 = vector.shape_cast %get3A_89 : vector<1x16xi32> to vector<16xi32>
    %and3A_91 = arith.constant 16383 : i32
    %and3A_92 = vector.broadcast %and3A_91 : i32 to vector<16xi32>
    %and3A_93 = arith.andi %get3A_90, %and3A_92 : vector<16xi32>
    %swap3A_94 = arith.constant 48 : index
    %swap3A_95 = tpu.vector_load %arg7[%swap3A_94] {strides = array<i32>} : memref<128xi32, #tpu.memory_space<vmem>>, vector<16xi32>,
    %swap3A_96 = vector.shape_cast %swap3A_95 : vector<16xi32> to vector<16xi32>
    %swap3A_97 = vector.shape_cast %and3A_93 : vector<16xi32> to vector<16xi32>
    tpu.vector_store %arg7[%swap3A_94], %swap3A_97 {strides = array<i32>} : memref<128xi32, #tpu.memory_space<vmem>>, vector<16xi32>,
    %shift_right_logical3A_98 = arith.constant 14 : i32
    %shift_right_logical3A_99 = vector.broadcast %shift_right_logical3A_98 : i32 to vector<16xi32>
    %shift_right_logical3A_100 = arith.shrui %get3A_90, %shift_right_logical3A_99 : vector<16xi32>
    %swap3A_101 = arith.constant 48 : index
    %swap3A_102 = tpu.vector_load %arg9[%swap3A_101] {strides = array<i32>} : memref<64xi32, #tpu.memory_space<vmem>>, vector<16xi32>,
    %swap3A_103 = vector.shape_cast %swap3A_102 : vector<16xi32> to vector<16xi32>
    %swap3A_104 = vector.shape_cast %shift_right_logical3A_100 : vector<16xi32> to vector<16xi32>
    tpu.vector_store %arg9[%swap3A_101], %swap3A_104 {strides = array<i32>} : memref<64xi32, #tpu.memory_space<vmem>>, vector<16xi32>,
    %get3A_105 = arith.constant 0 : i32
    %get3A_106 = arith.index_cast %get3A_105 : i32 to index
    %get3A_107 = arith.constant 64 : index
    %get3A_108 = tpu.vector_load %arg6[%get3A_106, %get3A_107] {strides = array<i32>} : memref<80x128xi32, #tpu.memory_space<vmem>>, vector<1x16xi32>,
    %get3A_109 = vector.shape_cast %get3A_108 : vector<1x16xi32> to vector<16xi32>
    %and3A_110 = arith.constant 16383 : i32
    %and3A_111 = vector.broadcast %and3A_110 : i32 to vector<16xi32>
    %and3A_112 = arith.andi %get3A_109, %and3A_111 : vector<16xi32>
    %swap3A_113 = arith.constant 64 : index
    %swap3A_114 = tpu.vector_load %arg7[%swap3A_113] {strides = array<i32>} : memref<128xi32, #tpu.memory_space<vmem>>, vector<16xi32>,
    %swap3A_115 = vector.shape_cast %swap3A_114 : vector<16xi32> to vector<16xi32>
    %swap3A_116 = vector.shape_cast %and3A_112 : vector<16xi32> to vector<16xi32>
    tpu.vector_store %arg7[%swap3A_113], %swap3A_116 {strides = array<i32>} : memref<128xi32, #tpu.memory_space<vmem>>, vector<16xi32>,
    %shift_right_logical3A_117 = arith.constant 14 : i32
    %shift_right_logical3A_118 = vector.broadcast %shift_right_logical3A_117 : i32 to vector<16xi32>
    %shift_right_logical3A_119 = arith.shrui %get3A_109, %shift_right_logical3A_118 : vector<16xi32>
    %swap3A_120 = arith.constant 0 : index
    %swap3A_121 = tpu.vector_load %arg10[%swap3A_120] {strides = array<i32>} : memref<64xi32, #tpu.memory_space<vmem>>, vector<16xi32>,
    %swap3A_122 = vector.shape_cast %swap3A_121 : vector<16xi32> to vector<16xi32>
    %swap3A_123 = vector.shape_cast %shift_right_logical3A_119 : vector<16xi32> to vector<16xi32>
    tpu.vector_store %arg10[%swap3A_120], %swap3A_123 {strides = array<i32>} : memref<64xi32, #tpu.memory_space<vmem>>, vector<16xi32>,
    %get3A_124 = arith.constant 0 : i32
    %get3A_125 = arith.index_cast %get3A_124 : i32 to index
    %get3A_126 = arith.constant 80 : index
    %get3A_127 = tpu.vector_load %arg6[%get3A_125, %get3A_126] {strides = array<i32>} : memref<80x128xi32, #tpu.memory_space<vmem>>, vector<1x16xi32>,
    %get3A_128 = vector.shape_cast %get3A_127 : vector<1x16xi32> to vector<16xi32>
    %and3A_129 = arith.constant 16383 : i32
    %and3A_130 = vector.broadcast %and3A_129 : i32 to vector<16xi32>
    %and3A_131 = arith.andi %get3A_128, %and3A_130 : vector<16xi32>
    %swap3A_132 = arith.constant 80 : index
    %swap3A_133 = tpu.vector_load %arg7[%swap3A_132] {strides = array<i32>} : memref<128xi32, #tpu.memory_space<vmem>>, vector<16xi32>,
    %swap3A_134 = vector.shape_cast %swap3A_133 : vector<16xi32> to vector<16xi32>
    %swap3A_135 = vector.shape_cast %and3A_131 : vector<16xi32> to vector<16xi32>
    tpu.vector_store %arg7[%swap3A_132], %swap3A_135 {strides = array<i32>} : memref<128xi32, #tpu.memory_space<vmem>>, vector<16xi32>,
    %shift_right_logical3A_136 = arith.constant 14 : i32
    %shift_right_logical3A_137 = vector.broadcast %shift_right_logical3A_136 : i32 to vector<16xi32>
    %shift_right_logical3A_138 = arith.shrui %get3A_128, %shift_right_logical3A_137 : vector<16xi32>
    %swap3A_139 = arith.constant 16 : index
    %swap3A_140 = tpu.vector_load %arg10[%swap3A_139] {strides = array<i32>} : memref<64xi32, #tpu.memory_space<vmem>>, vector<16xi32>,
    %swap3A_141 = vector.shape_cast %swap3A_140 : vector<16xi32> to vector<16xi32>
    %swap3A_142 = vector.shape_cast %shift_right_logical3A_138 : vector<16xi32> to vector<16xi32>
    tpu.vector_store %arg10[%swap3A_139], %swap3A_142 {strides = array<i32>} : memref<64xi32, #tpu.memory_space<vmem>>, vector<16xi32>,
    %get3A_143 = arith.constant 0 : i32
    %get3A_144 = arith.index_cast %get3A_143 : i32 to index
    %get3A_145 = arith.constant 96 : index
    %get3A_146 = tpu.vector_load %arg6[%get3A_144, %get3A_145] {strides = array<i32>} : memref<80x128xi32, #tpu.memory_space<vmem>>, vector<1x16xi32>,
    %get3A_147 = vector.shape_cast %get3A_146 : vector<1x16xi32> to vector<16xi32>
    %and3A_148 = arith.constant 16383 : i32
    %and3A_149 = vector.broadcast %and3A_148 : i32 to vector<16xi32>
    %and3A_150 = arith.andi %get3A_147, %and3A_149 : vector<16xi32>
    %swap3A_151 = arith.constant 96 : index
    %swap3A_152 = tpu.vector_load %arg7[%swap3A_151] {strides = array<i32>} : memref<128xi32, #tpu.memory_space<vmem>>, vector<16xi32>,
    %swap3A_153 = vector.shape_cast %swap3A_152 : vector<16xi32> to vector<16xi32>
    %swap3A_154 = vector.shape_cast %and3A_150 : vector<16xi32> to vector<16xi32>
    tpu.vector_store %arg7[%swap3A_151], %swap3A_154 {strides = array<i32>} : memref<128xi32, #tpu.memory_space<vmem>>, vector<16xi32>,
    %shift_right_logical3A_155 = arith.constant 14 : i32
    %shift_right_logical3A_156 = vector.broadcast %shift_right_logical3A_155 : i32 to vector<16xi32>
    %shift_right_logical3A_157 = arith.shrui %get3A_147, %shift_right_logical3A_156 : vector<16xi32>
    %swap3A_158 = arith.constant 32 : index
    %swap3A_159 = tpu.vector_load %arg10[%swap3A_158] {strides = array<i32>} : memref<64xi32, #tpu.memory_space<vmem>>, vector<16xi32>,
    %swap3A_160 = vector.shape_cast %swap3A_159 : vector<16xi32> to vector<16xi32>
    %swap3A_161 = vector.shape_cast %shift_right_logical3A_157 : vector<16xi32> to vector<16xi32>
    tpu.vector_store %arg10[%swap3A_158], %swap3A_161 {strides = array<i32>} : memref<64xi32, #tpu.memory_space<vmem>>, vector<16xi32>,
    %get3A_162 = arith.constant 0 : i32
    %get3A_163 = arith.index_cast %get3A_162 : i32 to index
    %get3A_164 = arith.constant 112 : index
    %get3A_165 = tpu.vector_load %arg6[%get3A_163, %get3A_164] {strides = array<i32>} : memref<80x128xi32, #tpu.memory_space<vmem>>, vector<1x16xi32>,
    %get3A_166 = vector.shape_cast %get3A_165 : vector<1x16xi32> to vector<16xi32>
    %and3A_167 = arith.constant 16383 : i32
    %and3A_168 = vector.broadcast %and3A_167 : i32 to vector<16xi32>
    %and3A_169 = arith.andi %get3A_166, %and3A_168 : vector<16xi32>
    %swap3A_170 = arith.constant 112 : index
    %swap3A_171 = tpu.vector_load %arg7[%swap3A_170] {strides = array<i32>} : memref<128xi32, #tpu.memory_space<vmem>>, vector<16xi32>,
    %swap3A_172 = vector.shape_cast %swap3A_171 : vector<16xi32> to vector<16xi32>
    %swap3A_173 = vector.shape_cast %and3A_169 : vector<16xi32> to vector<16xi32>
    tpu.vector_store %arg7[%swap3A_170], %swap3A_173 {strides = array<i32>} : memref<128xi32, #tpu.memory_space<vmem>>, vector<16xi32>,
    %shift_right_logical3A_174 = arith.constant 14 : i32
    %shift_right_logical3A_175 = vector.broadcast %shift_right_logical3A_174 : i32 to vector<16xi32>
    %shift_right_logical3A_176 = arith.shrui %get3A_166, %shift_right_logical3A_175 : vector<16xi32>
    %swap3A_177 = arith.constant 48 : index
    %swap3A_178 = tpu.vector_load %arg10[%swap3A_177] {strides = array<i32>} : memref<64xi32, #tpu.memory_space<vmem>>, vector<16xi32>,
    %swap3A_179 = vector.shape_cast %swap3A_178 : vector<16xi32> to vector<16xi32>
    %swap3A_180 = vector.shape_cast %shift_right_logical3A_176 : vector<16xi32> to vector<16xi32>
    tpu.vector_store %arg10[%swap3A_177], %swap3A_180 {strides = array<i32>} : memref<64xi32, #tpu.memory_space<vmem>>, vector<16xi32>,
    %dma_start3A = arith.constant 0 : i32
    %dma_start3A_181 = arith.constant 0 : i32
    %dma_start3A_182 = tpu.memref_slice %arg2[%dma_start3A, %dma_start3A_181] : memref<10000x128xf32, #tpu.memory_space<hbm>> -> memref<10000x128xf32, #tpu.memory_space<hbm>>
    tpu.enqueue_indirect_dma source(%dma_start3A_182 : memref<10000x128xf32, #tpu.memory_space<hbm>>) target(%arg13 : memref<128x128xf32, #tpu.memory_space<vmem>>) offsets(%arg7 : memref<128xi32, #tpu.memory_space<vmem>>) semaphore(%arg16 : memref<!tpu.dma_semaphore, #tpu.memory_space<semaphore_mem>>)
    %get3A_183 = arith.constant 1 : i32
    %get3A_184 = arith.index_cast %get3A_183 : i32 to index
    %get3A_185 = arith.constant 0 : index
    %get3A_186 = tpu.vector_load %arg6[%get3A_184, %get3A_185] {strides = array<i32>} : memref<80x128xi32, #tpu.memory_space<vmem>>, vector<1x16xi32>,
    %get3A_187 = vector.shape_cast %get3A_186 : vector<1x16xi32> to vector<16xi32>
    %and3A_188 = arith.constant 16383 : i32
    %and3A_189 = vector.broadcast %and3A_188 : i32 to vector<16xi32>
    %and3A_190 = arith.andi %get3A_187, %and3A_189 : vector<16xi32>
    %swap3A_191 = arith.constant 0 : index
    %swap3A_192 = tpu.vector_load %arg8[%swap3A_191] {strides = array<i32>} : memref<128xi32, #tpu.memory_space<vmem>>, vector<16xi32>,
    %swap3A_193 = vector.shape_cast %swap3A_192 : vector<16xi32> to vector<16xi32>
    %swap3A_194 = vector.shape_cast %and3A_190 : vector<16xi32> to vector<16xi32>
    tpu.vector_store %arg8[%swap3A_191], %swap3A_194 {strides = array<i32>} : memref<128xi32, #tpu.memory_space<vmem>>, vector<16xi32>,
    %shift_right_logical3A_195 = arith.constant 14 : i32
    %shift_right_logical3A_196 = vector.broadcast %shift_right_logical3A_195 : i32 to vector<16xi32>
    %shift_right_logical3A_197 = arith.shrui %get3A_187, %shift_right_logical3A_196 : vector<16xi32>
    %swap3A_198 = arith.constant 0 : index
    %swap3A_199 = tpu.vector_load %arg11[%swap3A_198] {strides = array<i32>} : memref<64xi32, #tpu.memory_space<vmem>>, vector<16xi32>,
    %swap3A_200 = vector.shape_cast %swap3A_199 : vector<16xi32> to vector<16xi32>
    %swap3A_201 = vector.shape_cast %shift_right_logical3A_197 : vector<16xi32> to vector<16xi32>
    tpu.vector_store %arg11[%swap3A_198], %swap3A_201 {strides = array<i32>} : memref<64xi32, #tpu.memory_space<vmem>>, vector<16xi32>,
    %get3A_202 = arith.constant 1 : i32
    %get3A_203 = arith.index_cast %get3A_202 : i32 to index
    %get3A_204 = arith.constant 16 : index
    %get3A_205 = tpu.vector_load %arg6[%get3A_203, %get3A_204] {strides = array<i32>} : memref<80x128xi32, #tpu.memory_space<vmem>>, vector<1x16xi32>,
    %get3A_206 = vector.shape_cast %get3A_205 : vector<1x16xi32> to vector<16xi32>
    %and3A_207 = arith.constant 16383 : i32
    %and3A_208 = vector.broadcast %and3A_207 : i32 to vector<16xi32>
    %and3A_209 = arith.andi %get3A_206, %and3A_208 : vector<16xi32>
    %swap3A_210 = arith.constant 16 : index
    %swap3A_211 = tpu.vector_load %arg8[%swap3A_210] {strides = array<i32>} : memref<128xi32, #tpu.memory_space<vmem>>, vector<16xi32>,
    %swap3A_212 = vector.shape_cast %swap3A_211 : vector<16xi32> to vector<16xi32>
    %swap3A_213 = vector.shape_cast %and3A_209 : vector<16xi32> to vector<16xi32>
    tpu.vector_store %arg8[%swap3A_210], %swap3A_213 {strides = array<i32>} : memref<128xi32, #tpu.memory_space<vmem>>, vector<16xi32>,
    %shift_right_logical3A_214 = arith.constant 14 : i32
    %shift_right_logical3A_215 = vector.broadcast %shift_right_logical3A_214 : i32 to vector<16xi32>
    %shift_right_logical3A_216 = arith.shrui %get3A_206, %shift_right_logical3A_215 : vector<16xi32>
    %swap3A_217 = arith.constant 16 : index
    %swap3A_218 = tpu.vector_load %arg11[%swap3A_217] {strides = array<i32>} : memref<64xi32, #tpu.memory_space<vmem>>, vector<16xi32>,
    %swap3A_219 = vector.shape_cast %swap3A_218 : vector<16xi32> to vector<16xi32>
    %swap3A_220 = vector.shape_cast %shift_right_logical3A_216 : vector<16xi32> to vector<16xi32>
    tpu.vector_store %arg11[%swap3A_217], %swap3A_220 {strides = array<i32>} : memref<64xi32, #tpu.memory_space<vmem>>, vector<16xi32>,
    %get3A_221 = arith.constant 1 : i32
    %get3A_222 = arith.index_cast %get3A_221 : i32 to index
    %get3A_223 = arith.constant 32 : index
    %get3A_224 = tpu.vector_load %arg6[%get3A_222, %get3A_223] {strides = array<i32>} : memref<80x128xi32, #tpu.memory_space<vmem>>, vector<1x16xi32>,
    %get3A_225 = vector.shape_cast %get3A_224 : vector<1x16xi32> to vector<16xi32>
    %and3A_226 = arith.constant 16383 : i32
    %and3A_227 = vector.broadcast %and3A_226 : i32 to vector<16xi32>
    %and3A_228 = arith.andi %get3A_225, %and3A_227 : vector<16xi32>
    %swap3A_229 = arith.constant 32 : index
    %swap3A_230 = tpu.vector_load %arg8[%swap3A_229] {strides = array<i32>} : memref<128xi32, #tpu.memory_space<vmem>>, vector<16xi32>,
    %swap3A_231 = vector.shape_cast %swap3A_230 : vector<16xi32> to vector<16xi32>
    %swap3A_232 = vector.shape_cast %and3A_228 : vector<16xi32> to vector<16xi32>
    tpu.vector_store %arg8[%swap3A_229], %swap3A_232 {strides = array<i32>} : memref<128xi32, #tpu.memory_space<vmem>>, vector<16xi32>,
    %shift_right_logical3A_233 = arith.constant 14 : i32
    %shift_right_logical3A_234 = vector.broadcast %shift_right_logical3A_233 : i32 to vector<16xi32>
    %shift_right_logical3A_235 = arith.shrui %get3A_225, %shift_right_logical3A_234 : vector<16xi32>
    %swap3A_236 = arith.constant 32 : index
    %swap3A_237 = tpu.vector_load %arg11[%swap3A_236] {strides = array<i32>} : memref<64xi32, #tpu.memory_space<vmem>>, vector<16xi32>,
    %swap3A_238 = vector.shape_cast %swap3A_237 : vector<16xi32> to vector<16xi32>
    %swap3A_239 = vector.shape_cast %shift_right_logical3A_235 : vector<16xi32> to vector<16xi32>
    tpu.vector_store %arg11[%swap3A_236], %swap3A_239 {strides = array<i32>} : memref<64xi32, #tpu.memory_space<vmem>>, vector<16xi32>,
    %get3A_240 = arith.constant 1 : i32
    %get3A_241 = arith.index_cast %get3A_240 : i32 to index
    %get3A_242 = arith.constant 48 : index
    %get3A_243 = tpu.vector_load %arg6[%get3A_241, %get3A_242] {strides = array<i32>} : memref<80x128xi32, #tpu.memory_space<vmem>>, vector<1x16xi32>,
    %get3A_244 = vector.shape_cast %get3A_243 : vector<1x16xi32> to vector<16xi32>
    %and3A_245 = arith.constant 16383 : i32
    %and3A_246 = vector.broadcast %and3A_245 : i32 to vector<16xi32>
    %and3A_247 = arith.andi %get3A_244, %and3A_246 : vector<16xi32>
    %swap3A_248 = arith.constant 48 : index
    %swap3A_249 = tpu.vector_load %arg8[%swap3A_248] {strides = array<i32>} : memref<128xi32, #tpu.memory_space<vmem>>, vector<16xi32>,
    %swap3A_250 = vector.shape_cast %swap3A_249 : vector<16xi32> to vector<16xi32>
    %swap3A_251 = vector.shape_cast %and3A_247 : vector<16xi32> to vector<16xi32>
    tpu.vector_store %arg8[%swap3A_248], %swap3A_251 {strides = array<i32>} : memref<128xi32, #tpu.memory_space<vmem>>, vector<16xi32>,
    %shift_right_logical3A_252 = arith.constant 14 : i32
    %shift_right_logical3A_253 = vector.broadcast %shift_right_logical3A_252 : i32 to vector<16xi32>
    %shift_right_logical3A_254 = arith.shrui %get3A_244, %shift_right_logical3A_253 : vector<16xi32>
    %swap3A_255 = arith.constant 48 : index
    %swap3A_256 = tpu.vector_load %arg11[%swap3A_255] {strides = array<i32>} : memref<64xi32, #tpu.memory_space<vmem>>, vector<16xi32>,
    %swap3A_257 = vector.shape_cast %swap3A_256 : vector<16xi32> to vector<16xi32>
    %swap3A_258 = vector.shape_cast %shift_right_logical3A_254 : vector<16xi32> to vector<16xi32>
    tpu.vector_store %arg11[%swap3A_255], %swap3A_258 {strides = array<i32>} : memref<64xi32, #tpu.memory_space<vmem>>, vector<16xi32>,
    %get3A_259 = arith.constant 1 : i32
    %get3A_260 = arith.index_cast %get3A_259 : i32 to index
    %get3A_261 = arith.constant 64 : index
    %get3A_262 = tpu.vector_load %arg6[%get3A_260, %get3A_261] {strides = array<i32>} : memref<80x128xi32, #tpu.memory_space<vmem>>, vector<1x16xi32>,
    %get3A_263 = vector.shape_cast %get3A_262 : vector<1x16xi32> to vector<16xi32>
    %and3A_264 = arith.constant 16383 : i32
    %and3A_265 = vector.broadcast %and3A_264 : i32 to vector<16xi32>
    %and3A_266 = arith.andi %get3A_263, %and3A_265 : vector<16xi32>
    %swap3A_267 = arith.constant 64 : index
    %swap3A_268 = tpu.vector_load %arg8[%swap3A_267] {strides = array<i32>} : memref<128xi32, #tpu.memory_space<vmem>>, vector<16xi32>,
    %swap3A_269 = vector.shape_cast %swap3A_268 : vector<16xi32> to vector<16xi32>
    %swap3A_270 = vector.shape_cast %and3A_266 : vector<16xi32> to vector<16xi32>
    tpu.vector_store %arg8[%swap3A_267], %swap3A_270 {strides = array<i32>} : memref<128xi32, #tpu.memory_space<vmem>>, vector<16xi32>,
    %shift_right_logical3A_271 = arith.constant 14 : i32
    %shift_right_logical3A_272 = vector.broadcast %shift_right_logical3A_271 : i32 to vector<16xi32>
    %shift_right_logical3A_273 = arith.shrui %get3A_263, %shift_right_logical3A_272 : vector<16xi32>
    %swap3A_274 = arith.constant 0 : index
    %swap3A_275 = tpu.vector_load %arg12[%swap3A_274] {strides = array<i32>} : memref<64xi32, #tpu.memory_space<vmem>>, vector<16xi32>,
    %swap3A_276 = vector.shape_cast %swap3A_275 : vector<16xi32> to vector<16xi32>
    %swap3A_277 = vector.shape_cast %shift_right_logical3A_273 : vector<16xi32> to vector<16xi32>
    tpu.vector_store %arg12[%swap3A_274], %swap3A_277 {strides = array<i32>} : memref<64xi32, #tpu.memory_space<vmem>>, vector<16xi32>,
    %get3A_278 = arith.constant 1 : i32
    %get3A_279 = arith.index_cast %get3A_278 : i32 to index
    %get3A_280 = arith.constant 80 : index
    %get3A_281 = tpu.vector_load %arg6[%get3A_279, %get3A_280] {strides = array<i32>} : memref<80x128xi32, #tpu.memory_space<vmem>>, vector<1x16xi32>,
    %get3A_282 = vector.shape_cast %get3A_281 : vector<1x16xi32> to vector<16xi32>
    %and3A_283 = arith.constant 16383 : i32
    %and3A_284 = vector.broadcast %and3A_283 : i32 to vector<16xi32>
    %and3A_285 = arith.andi %get3A_282, %and3A_284 : vector<16xi32>
    %swap3A_286 = arith.constant 80 : index
    %swap3A_287 = tpu.vector_load %arg8[%swap3A_286] {strides = array<i32>} : memref<128xi32, #tpu.memory_space<vmem>>, vector<16xi32>,
    %swap3A_288 = vector.shape_cast %swap3A_287 : vector<16xi32> to vector<16xi32>
    %swap3A_289 = vector.shape_cast %and3A_285 : vector<16xi32> to vector<16xi32>
    tpu.vector_store %arg8[%swap3A_286], %swap3A_289 {strides = array<i32>} : memref<128xi32, #tpu.memory_space<vmem>>, vector<16xi32>,
    %shift_right_logical3A_290 = arith.constant 14 : i32
    %shift_right_logical3A_291 = vector.broadcast %shift_right_logical3A_290 : i32 to vector<16xi32>
    %shift_right_logical3A_292 = arith.shrui %get3A_282, %shift_right_logical3A_291 : vector<16xi32>
    %swap3A_293 = arith.constant 16 : index
    %swap3A_294 = tpu.vector_load %arg12[%swap3A_293] {strides = array<i32>} : memref<64xi32, #tpu.memory_space<vmem>>, vector<16xi32>,
    %swap3A_295 = vector.shape_cast %swap3A_294 : vector<16xi32> to vector<16xi32>
    %swap3A_296 = vector.shape_cast %shift_right_logical3A_292 : vector<16xi32> to vector<16xi32>
    tpu.vector_store %arg12[%swap3A_293], %swap3A_296 {strides = array<i32>} : memref<64xi32, #tpu.memory_space<vmem>>, vector<16xi32>,
    %get3A_297 = arith.constant 1 : i32
    %get3A_298 = arith.index_cast %get3A_297 : i32 to index
    %get3A_299 = arith.constant 96 : index
    %get3A_300 = tpu.vector_load %arg6[%get3A_298, %get3A_299] {strides = array<i32>} : memref<80x128xi32, #tpu.memory_space<vmem>>, vector<1x16xi32>,
    %get3A_301 = vector.shape_cast %get3A_300 : vector<1x16xi32> to vector<16xi32>
    %and3A_302 = arith.constant 16383 : i32
    %and3A_303 = vector.broadcast %and3A_302 : i32 to vector<16xi32>
    %and3A_304 = arith.andi %get3A_301, %and3A_303 : vector<16xi32>
    %swap3A_305 = arith.constant 96 : index
    %swap3A_306 = tpu.vector_load %arg8[%swap3A_305] {strides = array<i32>} : memref<128xi32, #tpu.memory_space<vmem>>, vector<16xi32>,
    %swap3A_307 = vector.shape_cast %swap3A_306 : vector<16xi32> to vector<16xi32>
    %swap3A_308 = vector.shape_cast %and3A_304 : vector<16xi32> to vector<16xi32>
    tpu.vector_store %arg8[%swap3A_305], %swap3A_308 {strides = array<i32>} : memref<128xi32, #tpu.memory_space<vmem>>, vector<16xi32>,
    %shift_right_logical3A_309 = arith.constant 14 : i32
    %shift_right_logical3A_310 = vector.broadcast %shift_right_logical3A_309 : i32 to vector<16xi32>
    %shift_right_logical3A_311 = arith.shrui %get3A_301, %shift_right_logical3A_310 : vector<16xi32>
    %swap3A_312 = arith.constant 32 : index
    %swap3A_313 = tpu.vector_load %arg12[%swap3A_312] {strides = array<i32>} : memref<64xi32, #tpu.memory_space<vmem>>, vector<16xi32>,
    %swap3A_314 = vector.shape_cast %swap3A_313 : vector<16xi32> to vector<16xi32>
    %swap3A_315 = vector.shape_cast %shift_right_logical3A_311 : vector<16xi32> to vector<16xi32>
    tpu.vector_store %arg12[%swap3A_312], %swap3A_315 {strides = array<i32>} : memref<64xi32, #tpu.memory_space<vmem>>, vector<16xi32>,
    %get3A_316 = arith.constant 1 : i32
    %get3A_317 = arith.index_cast %get3A_316 : i32 to index
    %get3A_318 = arith.constant 112 : index
    %get3A_319 = tpu.vector_load %arg6[%get3A_317, %get3A_318] {strides = array<i32>} : memref<80x128xi32, #tpu.memory_space<vmem>>, vector<1x16xi32>,
    %get3A_320 = vector.shape_cast %get3A_319 : vector<1x16xi32> to vector<16xi32>
    %and3A_321 = arith.constant 16383 : i32
    %and3A_322 = vector.broadcast %and3A_321 : i32 to vector<16xi32>
    %and3A_323 = arith.andi %get3A_320, %and3A_322 : vector<16xi32>
    %swap3A_324 = arith.constant 112 : index
    %swap3A_325 = tpu.vector_load %arg8[%swap3A_324] {strides = array<i32>} : memref<128xi32, #tpu.memory_space<vmem>>, vector<16xi32>,
    %swap3A_326 = vector.shape_cast %swap3A_325 : vector<16xi32> to vector<16xi32>
    %swap3A_327 = vector.shape_cast %and3A_323 : vector<16xi32> to vector<16xi32>
    tpu.vector_store %arg8[%swap3A_324], %swap3A_327 {strides = array<i32>} : memref<128xi32, #tpu.memory_space<vmem>>, vector<16xi32>,
    %shift_right_logical3A_328 = arith.constant 14 : i32
    %shift_right_logical3A_329 = vector.broadcast %shift_right_logical3A_328 : i32 to vector<16xi32>
    %shift_right_logical3A_330 = arith.shrui %get3A_320, %shift_right_logical3A_329 : vector<16xi32>
    %swap3A_331 = arith.constant 48 : index
    %swap3A_332 = tpu.vector_load %arg12[%swap3A_331] {strides = array<i32>} : memref<64xi32, #tpu.memory_space<vmem>>, vector<16xi32>,
    %swap3A_333 = vector.shape_cast %swap3A_332 : vector<16xi32> to vector<16xi32>
    %swap3A_334 = vector.shape_cast %shift_right_logical3A_330 : vector<16xi32> to vector<16xi32>
    tpu.vector_store %arg12[%swap3A_331], %swap3A_334 {strides = array<i32>} : memref<64xi32, #tpu.memory_space<vmem>>, vector<16xi32>,
    %dma_start3A_335 = arith.constant 0 : i32
    %dma_start3A_336 = arith.constant 0 : i32
    %dma_start3A_337 = tpu.memref_slice %arg2[%dma_start3A_335, %dma_start3A_336] : memref<10000x128xf32, #tpu.memory_space<hbm>> -> memref<10000x128xf32, #tpu.memory_space<hbm>>
    tpu.enqueue_indirect_dma source(%dma_start3A_337 : memref<10000x128xf32, #tpu.memory_space<hbm>>) target(%arg14 : memref<128x128xf32, #tpu.memory_space<vmem>>) offsets(%arg8 : memref<128xi32, #tpu.memory_space<vmem>>) semaphore(%arg17 : memref<!tpu.dma_semaphore, #tpu.memory_space<semaphore_mem>>)
    %dma_wait3A = arith.constant 0 : i32
    %dma_wait3A_338 = arith.constant 0 : i32
    %dma_wait3A_339 = tpu.memref_slice %arg2[%dma_wait3A, %dma_wait3A_338] : memref<10000x128xf32, #tpu.memory_space<hbm>> -> memref<10000x128xf32, #tpu.memory_space<hbm>>
    tpu.wait_indirect_dma semaphore(%arg16 : memref<!tpu.dma_semaphore, #tpu.memory_space<semaphore_mem>>) src(%dma_wait3A_339 : memref<10000x128xf32, #tpu.memory_space<hbm>>) dst(%arg13 : memref<128x128xf32, #tpu.memory_space<vmem>>)
    %dma_start3A_340 = arith.constant 0 : i32
    %dma_start3A_341 = arith.constant 0 : i32
    %dma_start3A_342 = tpu.memref_slice %arg13[%dma_start3A_340, %dma_start3A_341] : memref<128x128xf32, #tpu.memory_space<vmem>> -> memref<64x128xf32, #tpu.memory_space<vmem>>
    %dma_start3A_343 = arith.constant 0 : i32
    %dma_start3A_344 = arith.constant 0 : i32
    %dma_start3A_345 = tpu.memref_slice %arg15[%dma_start3A_343, %dma_start3A_344] : memref<10112x128xf32, #tpu.memory_space<vmem_shared>> -> memref<10112x128xf32, #tpu.memory_space<vmem_shared>>
    tpu.enqueue_indirect_dma source(%dma_start3A_342 : memref<64x128xf32, #tpu.memory_space<vmem>>) target(%dma_start3A_345 : memref<10112x128xf32, #tpu.memory_space<vmem_shared>>) offsets(%arg9 : memref<64xi32, #tpu.memory_space<vmem>>) semaphore(%arg18 : memref<!tpu.dma_semaphore, #tpu.memory_space<semaphore_mem>>) {add = true}
    %dma_start3A_346 = arith.constant 64 : i32
    %dma_start3A_347 = arith.constant 0 : i32
    %dma_start3A_348 = tpu.memref_slice %arg13[%dma_start3A_346, %dma_start3A_347] : memref<128x128xf32, #tpu.memory_space<vmem>> -> memref<64x128xf32, #tpu.memory_space<vmem>>
    %dma_start3A_349 = arith.constant 0 : i32
    %dma_start3A_350 = arith.constant 0 : i32
    %dma_start3A_351 = tpu.memref_slice %arg15[%dma_start3A_349, %dma_start3A_350] : memref<10112x128xf32, #tpu.memory_space<vmem_shared>> -> memref<10112x128xf32, #tpu.memory_space<vmem_shared>>
    tpu.enqueue_indirect_dma source(%dma_start3A_348 : memref<64x128xf32, #tpu.memory_space<vmem>>) target(%dma_start3A_351 : memref<10112x128xf32, #tpu.memory_space<vmem_shared>>) offsets(%arg10 : memref<64xi32, #tpu.memory_space<vmem>>) semaphore(%arg19 : memref<!tpu.dma_semaphore, #tpu.memory_space<semaphore_mem>>) {add = true}
    %scan3A = arith.constant 0 : i32
    %scan3A_352 = arith.constant 0 : i32
    %scan3A_353 = arith.constant 39 : i32
    %scan3A_354 = arith.addi %scan3A_352, %scan3A_353 : i32
    %scan3A_355 = arith.constant 1 : i32
    scf.for %scan3A_397 = %scan3A_352 to %scan3A_354 step %scan3A_355  : i32 {
      %mul3A_398 = arith.constant 2 : i32
      %mul3A_399 = arith.muli %mul3A_398, %scan3A_397 : i32
      %add3A_400 = arith.constant 2 : i32
      %add3A_401 = arith.addi %mul3A_399, %add3A_400 : i32
      %dma_wait3A_402 = arith.constant 0 : i32
      %dma_wait3A_403 = arith.constant 0 : i32
      %dma_wait3A_404 = tpu.memref_slice %arg13[%dma_wait3A_402, %dma_wait3A_403] : memref<128x128xf32, #tpu.memory_space<vmem>> -> memref<64x128xf32, #tpu.memory_space<vmem>>
      %dma_wait3A_405 = arith.constant 0 : i32
      %dma_wait3A_406 = arith.constant 0 : i32
      %dma_wait3A_407 = tpu.memref_slice %arg15[%dma_wait3A_405, %dma_wait3A_406] : memref<10112x128xf32, #tpu.memory_space<vmem_shared>> -> memref<10112x128xf32, #tpu.memory_space<vmem_shared>>
      tpu.wait_indirect_dma semaphore(%arg18 : memref<!tpu.dma_semaphore, #tpu.memory_space<semaphore_mem>>) src(%dma_wait3A_404 : memref<64x128xf32, #tpu.memory_space<vmem>>) dst(%dma_wait3A_407 : memref<10112x128xf32, #tpu.memory_space<vmem_shared>>)
      %dma_wait3A_408 = arith.constant 64 : i32
      %dma_wait3A_409 = arith.constant 0 : i32
      %dma_wait3A_410 = tpu.memref_slice %arg13[%dma_wait3A_408, %dma_wait3A_409] : memref<128x128xf32, #tpu.memory_space<vmem>> -> memref<64x128xf32, #tpu.memory_space<vmem>>
      %dma_wait3A_411 = arith.constant 0 : i32
      %dma_wait3A_412 = arith.constant 0 : i32
      %dma_wait3A_413 = tpu.memref_slice %arg15[%dma_wait3A_411, %dma_wait3A_412] : memref<10112x128xf32, #tpu.memory_space<vmem_shared>> -> memref<10112x128xf32, #tpu.memory_space<vmem_shared>>
      tpu.wait_indirect_dma semaphore(%arg19 : memref<!tpu.dma_semaphore, #tpu.memory_space<semaphore_mem>>) src(%dma_wait3A_410 : memref<64x128xf32, #tpu.memory_space<vmem>>) dst(%dma_wait3A_413 : memref<10112x128xf32, #tpu.memory_space<vmem_shared>>)
      %get3A_414 = arith.index_cast %add3A_401 : i32 to index
      %get3A_415 = arith.constant 0 : index
      %get3A_416 = tpu.vector_load %arg6[%get3A_414, %get3A_415] {strides = array<i32>} : memref<80x128xi32, #tpu.memory_space<vmem>>, vector<1x16xi32>,
      %get3A_417 = vector.shape_cast %get3A_416 : vector<1x16xi32> to vector<16xi32>
      %and3A_418 = arith.constant 16383 : i32
      %and3A_419 = vector.broadcast %and3A_418 : i32 to vector<16xi32>
      %and3A_420 = arith.andi %get3A_417, %and3A_419 : vector<16xi32>
      %swap3A_421 = arith.constant 0 : index
      %swap3A_422 = tpu.vector_load %arg7[%swap3A_421] {strides = array<i32>} : memref<128xi32, #tpu.memory_space<vmem>>, vector<16xi32>,
      %swap3A_423 = vector.shape_cast %swap3A_422 : vector<16xi32> to vector<16xi32>
      %swap3A_424 = vector.shape_cast %and3A_420 : vector<16xi32> to vector<16xi32>
      tpu.vector_store %arg7[%swap3A_421], %swap3A_424 {strides = array<i32>} : memref<128xi32, #tpu.memory_space<vmem>>, vector<16xi32>,
      %shift_right_logical3A_425 = arith.constant 14 : i32
      %shift_right_logical3A_426 = vector.broadcast %shift_right_logical3A_425 : i32 to vector<16xi32>
      %shift_right_logical3A_427 = arith.shrui %get3A_417, %shift_right_logical3A_426 : vector<16xi32>
      %swap3A_428 = arith.constant 0 : index
      %swap3A_429 = tpu.vector_load %arg9[%swap3A_428] {strides = array<i32>} : memref<64xi32, #tpu.memory_space<vmem>>, vector<16xi32>,
      %swap3A_430 = vector.shape_cast %swap3A_429 : vector<16xi32> to vector<16xi32>
      %swap3A_431 = vector.shape_cast %shift_right_logical3A_427 : vector<16xi32> to vector<16xi32>
      tpu.vector_store %arg9[%swap3A_428], %swap3A_431 {strides = array<i32>} : memref<64xi32, #tpu.memory_space<vmem>>, vector<16xi32>,
      %get3A_432 = arith.index_cast %add3A_401 : i32 to index
      %get3A_433 = arith.constant 16 : index
      %get3A_434 = tpu.vector_load %arg6[%get3A_432, %get3A_433] {strides = array<i32>} : memref<80x128xi32, #tpu.memory_space<vmem>>, vector<1x16xi32>,
      %get3A_435 = vector.shape_cast %get3A_434 : vector<1x16xi32> to vector<16xi32>
      %and3A_436 = arith.constant 16383 : i32
      %and3A_437 = vector.broadcast %and3A_436 : i32 to vector<16xi32>
      %and3A_438 = arith.andi %get3A_435, %and3A_437 : vector<16xi32>
      %swap3A_439 = arith.constant 16 : index
      %swap3A_440 = tpu.vector_load %arg7[%swap3A_439] {strides = array<i32>} : memref<128xi32, #tpu.memory_space<vmem>>, vector<16xi32>,
      %swap3A_441 = vector.shape_cast %swap3A_440 : vector<16xi32> to vector<16xi32>
      %swap3A_442 = vector.shape_cast %and3A_438 : vector<16xi32> to vector<16xi32>
      tpu.vector_store %arg7[%swap3A_439], %swap3A_442 {strides = array<i32>} : memref<128xi32, #tpu.memory_space<vmem>>, vector<16xi32>,
      %shift_right_logical3A_443 = arith.constant 14 : i32
      %shift_right_logical3A_444 = vector.broadcast %shift_right_logical3A_443 : i32 to vector<16xi32>
      %shift_right_logical3A_445 = arith.shrui %get3A_435, %shift_right_logical3A_444 : vector<16xi32>
      %swap3A_446 = arith.constant 16 : index
      %swap3A_447 = tpu.vector_load %arg9[%swap3A_446] {strides = array<i32>} : memref<64xi32, #tpu.memory_space<vmem>>, vector<16xi32>,
      %swap3A_448 = vector.shape_cast %swap3A_447 : vector<16xi32> to vector<16xi32>
      %swap3A_449 = vector.shape_cast %shift_right_logical3A_445 : vector<16xi32> to vector<16xi32>
      tpu.vector_store %arg9[%swap3A_446], %swap3A_449 {strides = array<i32>} : memref<64xi32, #tpu.memory_space<vmem>>, vector<16xi32>,
      %get3A_450 = arith.index_cast %add3A_401 : i32 to index
      %get3A_451 = arith.constant 32 : index
      %get3A_452 = tpu.vector_load %arg6[%get3A_450, %get3A_451] {strides = array<i32>} : memref<80x128xi32, #tpu.memory_space<vmem>>, vector<1x16xi32>,
      %get3A_453 = vector.shape_cast %get3A_452 : vector<1x16xi32> to vector<16xi32>
      %and3A_454 = arith.constant 16383 : i32
      %and3A_455 = vector.broadcast %and3A_454 : i32 to vector<16xi32>
      %and3A_456 = arith.andi %get3A_453, %and3A_455 : vector<16xi32>
      %swap3A_457 = arith.constant 32 : index
      %swap3A_458 = tpu.vector_load %arg7[%swap3A_457] {strides = array<i32>} : memref<128xi32, #tpu.memory_space<vmem>>, vector<16xi32>,
      %swap3A_459 = vector.shape_cast %swap3A_458 : vector<16xi32> to vector<16xi32>
      %swap3A_460 = vector.shape_cast %and3A_456 : vector<16xi32> to vector<16xi32>
      tpu.vector_store %arg7[%swap3A_457], %swap3A_460 {strides = array<i32>} : memref<128xi32, #tpu.memory_space<vmem>>, vector<16xi32>,
      %shift_right_logical3A_461 = arith.constant 14 : i32
      %shift_right_logical3A_462 = vector.broadcast %shift_right_logical3A_461 : i32 to vector<16xi32>
      %shift_right_logical3A_463 = arith.shrui %get3A_453, %shift_right_logical3A_462 : vector<16xi32>
      %swap3A_464 = arith.constant 32 : index
      %swap3A_465 = tpu.vector_load %arg9[%swap3A_464] {strides = array<i32>} : memref<64xi32, #tpu.memory_space<vmem>>, vector<16xi32>,
      %swap3A_466 = vector.shape_cast %swap3A_465 : vector<16xi32> to vector<16xi32>
      %swap3A_467 = vector.shape_cast %shift_right_logical3A_463 : vector<16xi32> to vector<16xi32>
      tpu.vector_store %arg9[%swap3A_464], %swap3A_467 {strides = array<i32>} : memref<64xi32, #tpu.memory_space<vmem>>, vector<16xi32>,
      %get3A_468 = arith.index_cast %add3A_401 : i32 to index
      %get3A_469 = arith.constant 48 : index
      %get3A_470 = tpu.vector_load %arg6[%get3A_468, %get3A_469] {strides = array<i32>} : memref<80x128xi32, #tpu.memory_space<vmem>>, vector<1x16xi32>,
      %get3A_471 = vector.shape_cast %get3A_470 : vector<1x16xi32> to vector<16xi32>
      %and3A_472 = arith.constant 16383 : i32
      %and3A_473 = vector.broadcast %and3A_472 : i32 to vector<16xi32>
      %and3A_474 = arith.andi %get3A_471, %and3A_473 : vector<16xi32>
      %swap3A_475 = arith.constant 48 : index
      %swap3A_476 = tpu.vector_load %arg7[%swap3A_475] {strides = array<i32>} : memref<128xi32, #tpu.memory_space<vmem>>, vector<16xi32>,
      %swap3A_477 = vector.shape_cast %swap3A_476 : vector<16xi32> to vector<16xi32>
      %swap3A_478 = vector.shape_cast %and3A_474 : vector<16xi32> to vector<16xi32>
      tpu.vector_store %arg7[%swap3A_475], %swap3A_478 {strides = array<i32>} : memref<128xi32, #tpu.memory_space<vmem>>, vector<16xi32>,
      %shift_right_logical3A_479 = arith.constant 14 : i32
      %shift_right_logical3A_480 = vector.broadcast %shift_right_logical3A_479 : i32 to vector<16xi32>
      %shift_right_logical3A_481 = arith.shrui %get3A_471, %shift_right_logical3A_480 : vector<16xi32>
      %swap3A_482 = arith.constant 48 : index
      %swap3A_483 = tpu.vector_load %arg9[%swap3A_482] {strides = array<i32>} : memref<64xi32, #tpu.memory_space<vmem>>, vector<16xi32>,
      %swap3A_484 = vector.shape_cast %swap3A_483 : vector<16xi32> to vector<16xi32>
      %swap3A_485 = vector.shape_cast %shift_right_logical3A_481 : vector<16xi32> to vector<16xi32>
      tpu.vector_store %arg9[%swap3A_482], %swap3A_485 {strides = array<i32>} : memref<64xi32, #tpu.memory_space<vmem>>, vector<16xi32>,
      %get3A_486 = arith.index_cast %add3A_401 : i32 to index
      %get3A_487 = arith.constant 64 : index
      %get3A_488 = tpu.vector_load %arg6[%get3A_486, %get3A_487] {strides = array<i32>} : memref<80x128xi32, #tpu.memory_space<vmem>>, vector<1x16xi32>,
      %get3A_489 = vector.shape_cast %get3A_488 : vector<1x16xi32> to vector<16xi32>
      %and3A_490 = arith.constant 16383 : i32
      %and3A_491 = vector.broadcast %and3A_490 : i32 to vector<16xi32>
      %and3A_492 = arith.andi %get3A_489, %and3A_491 : vector<16xi32>
      %swap3A_493 = arith.constant 64 : index
      %swap3A_494 = tpu.vector_load %arg7[%swap3A_493] {strides = array<i32>} : memref<128xi32, #tpu.memory_space<vmem>>, vector<16xi32>,
      %swap3A_495 = vector.shape_cast %swap3A_494 : vector<16xi32> to vector<16xi32>
      %swap3A_496 = vector.shape_cast %and3A_492 : vector<16xi32> to vector<16xi32>
      tpu.vector_store %arg7[%swap3A_493], %swap3A_496 {strides = array<i32>} : memref<128xi32, #tpu.memory_space<vmem>>, vector<16xi32>,
      %shift_right_logical3A_497 = arith.constant 14 : i32
      %shift_right_logical3A_498 = vector.broadcast %shift_right_logical3A_497 : i32 to vector<16xi32>
      %shift_right_logical3A_499 = arith.shrui %get3A_489, %shift_right_logical3A_498 : vector<16xi32>
      %swap3A_500 = arith.constant 0 : index
      %swap3A_501 = tpu.vector_load %arg10[%swap3A_500] {strides = array<i32>} : memref<64xi32, #tpu.memory_space<vmem>>, vector<16xi32>,
      %swap3A_502 = vector.shape_cast %swap3A_501 : vector<16xi32> to vector<16xi32>
      %swap3A_503 = vector.shape_cast %shift_right_logical3A_499 : vector<16xi32> to vector<16xi32>
      tpu.vector_store %arg10[%swap3A_500], %swap3A_503 {strides = array<i32>} : memref<64xi32, #tpu.memory_space<vmem>>, vector<16xi32>,
      %get3A_504 = arith.index_cast %add3A_401 : i32 to index
      %get3A_505 = arith.constant 80 : index
      %get3A_506 = tpu.vector_load %arg6[%get3A_504, %get3A_505] {strides = array<i32>} : memref<80x128xi32, #tpu.memory_space<vmem>>, vector<1x16xi32>,
      %get3A_507 = vector.shape_cast %get3A_506 : vector<1x16xi32> to vector<16xi32>
      %and3A_508 = arith.constant 16383 : i32
      %and3A_509 = vector.broadcast %and3A_508 : i32 to vector<16xi32>
      %and3A_510 = arith.andi %get3A_507, %and3A_509 : vector<16xi32>
      %swap3A_511 = arith.constant 80 : index
      %swap3A_512 = tpu.vector_load %arg7[%swap3A_511] {strides = array<i32>} : memref<128xi32, #tpu.memory_space<vmem>>, vector<16xi32>,
      %swap3A_513 = vector.shape_cast %swap3A_512 : vector<16xi32> to vector<16xi32>
      %swap3A_514 = vector.shape_cast %and3A_510 : vector<16xi32> to vector<16xi32>
      tpu.vector_store %arg7[%swap3A_511], %swap3A_514 {strides = array<i32>} : memref<128xi32, #tpu.memory_space<vmem>>, vector<16xi32>,
      %shift_right_logical3A_515 = arith.constant 14 : i32
      %shift_right_logical3A_516 = vector.broadcast %shift_right_logical3A_515 : i32 to vector<16xi32>
      %shift_right_logical3A_517 = arith.shrui %get3A_507, %shift_right_logical3A_516 : vector<16xi32>
      %swap3A_518 = arith.constant 16 : index
      %swap3A_519 = tpu.vector_load %arg10[%swap3A_518] {strides = array<i32>} : memref<64xi32, #tpu.memory_space<vmem>>, vector<16xi32>,
      %swap3A_520 = vector.shape_cast %swap3A_519 : vector<16xi32> to vector<16xi32>
      %swap3A_521 = vector.shape_cast %shift_right_logical3A_517 : vector<16xi32> to vector<16xi32>
      tpu.vector_store %arg10[%swap3A_518], %swap3A_521 {strides = array<i32>} : memref<64xi32, #tpu.memory_space<vmem>>, vector<16xi32>,
      %get3A_522 = arith.index_cast %add3A_401 : i32 to index
      %get3A_523 = arith.constant 96 : index
      %get3A_524 = tpu.vector_load %arg6[%get3A_522, %get3A_523] {strides = array<i32>} : memref<80x128xi32, #tpu.memory_space<vmem>>, vector<1x16xi32>,
      %get3A_525 = vector.shape_cast %get3A_524 : vector<1x16xi32> to vector<16xi32>
      %and3A_526 = arith.constant 16383 : i32
      %and3A_527 = vector.broadcast %and3A_526 : i32 to vector<16xi32>
      %and3A_528 = arith.andi %get3A_525, %and3A_527 : vector<16xi32>
      %swap3A_529 = arith.constant 96 : index
      %swap3A_530 = tpu.vector_load %arg7[%swap3A_529] {strides = array<i32>} : memref<128xi32, #tpu.memory_space<vmem>>, vector<16xi32>,
      %swap3A_531 = vector.shape_cast %swap3A_530 : vector<16xi32> to vector<16xi32>
      %swap3A_532 = vector.shape_cast %and3A_528 : vector<16xi32> to vector<16xi32>
      tpu.vector_store %arg7[%swap3A_529], %swap3A_532 {strides = array<i32>} : memref<128xi32, #tpu.memory_space<vmem>>, vector<16xi32>,
      %shift_right_logical3A_533 = arith.constant 14 : i32
      %shift_right_logical3A_534 = vector.broadcast %shift_right_logical3A_533 : i32 to vector<16xi32>
      %shift_right_logical3A_535 = arith.shrui %get3A_525, %shift_right_logical3A_534 : vector<16xi32>
      %swap3A_536 = arith.constant 32 : index
      %swap3A_537 = tpu.vector_load %arg10[%swap3A_536] {strides = array<i32>} : memref<64xi32, #tpu.memory_space<vmem>>, vector<16xi32>,
      %swap3A_538 = vector.shape_cast %swap3A_537 : vector<16xi32> to vector<16xi32>
      %swap3A_539 = vector.shape_cast %shift_right_logical3A_535 : vector<16xi32> to vector<16xi32>
      tpu.vector_store %arg10[%swap3A_536], %swap3A_539 {strides = array<i32>} : memref<64xi32, #tpu.memory_space<vmem>>, vector<16xi32>,
      %get3A_540 = arith.index_cast %add3A_401 : i32 to index
      %get3A_541 = arith.constant 112 : index
      %get3A_542 = tpu.vector_load %arg6[%get3A_540, %get3A_541] {strides = array<i32>} : memref<80x128xi32, #tpu.memory_space<vmem>>, vector<1x16xi32>,
      %get3A_543 = vector.shape_cast %get3A_542 : vector<1x16xi32> to vector<16xi32>
      %and3A_544 = arith.constant 16383 : i32
      %and3A_545 = vector.broadcast %and3A_544 : i32 to vector<16xi32>
      %and3A_546 = arith.andi %get3A_543, %and3A_545 : vector<16xi32>
      %swap3A_547 = arith.constant 112 : index
      %swap3A_548 = tpu.vector_load %arg7[%swap3A_547] {strides = array<i32>} : memref<128xi32, #tpu.memory_space<vmem>>, vector<16xi32>,
      %swap3A_549 = vector.shape_cast %swap3A_548 : vector<16xi32> to vector<16xi32>
      %swap3A_550 = vector.shape_cast %and3A_546 : vector<16xi32> to vector<16xi32>
      tpu.vector_store %arg7[%swap3A_547], %swap3A_550 {strides = array<i32>} : memref<128xi32, #tpu.memory_space<vmem>>, vector<16xi32>,
      %shift_right_logical3A_551 = arith.constant 14 : i32
      %shift_right_logical3A_552 = vector.broadcast %shift_right_logical3A_551 : i32 to vector<16xi32>
      %shift_right_logical3A_553 = arith.shrui %get3A_543, %shift_right_logical3A_552 : vector<16xi32>
      %swap3A_554 = arith.constant 48 : index
      %swap3A_555 = tpu.vector_load %arg10[%swap3A_554] {strides = array<i32>} : memref<64xi32, #tpu.memory_space<vmem>>, vector<16xi32>,
      %swap3A_556 = vector.shape_cast %swap3A_555 : vector<16xi32> to vector<16xi32>
      %swap3A_557 = vector.shape_cast %shift_right_logical3A_553 : vector<16xi32> to vector<16xi32>
      tpu.vector_store %arg10[%swap3A_554], %swap3A_557 {strides = array<i32>} : memref<64xi32, #tpu.memory_space<vmem>>, vector<16xi32>,
      %dma_start3A_558 = arith.constant 0 : i32
      %dma_start3A_559 = arith.constant 0 : i32
      %dma_start3A_560 = tpu.memref_slice %arg2[%dma_start3A_558, %dma_start3A_559] : memref<10000x128xf32, #tpu.memory_space<hbm>> -> memref<10000x128xf32, #tpu.memory_space<hbm>>
      tpu.enqueue_indirect_dma source(%dma_start3A_560 : memref<10000x128xf32, #tpu.memory_space<hbm>>) target(%arg13 : memref<128x128xf32, #tpu.memory_space<vmem>>) offsets(%arg7 : memref<128xi32, #tpu.memory_space<vmem>>) semaphore(%arg16 : memref<!tpu.dma_semaphore, #tpu.memory_space<semaphore_mem>>)
      %dma_wait3A_561 = arith.constant 0 : i32
      %dma_wait3A_562 = arith.constant 0 : i32
      %dma_wait3A_563 = tpu.memref_slice %arg2[%dma_wait3A_561, %dma_wait3A_562] : memref<10000x128xf32, #tpu.memory_space<hbm>> -> memref<10000x128xf32, #tpu.memory_space<hbm>>
      tpu.wait_indirect_dma semaphore(%arg17 : memref<!tpu.dma_semaphore, #tpu.memory_space<semaphore_mem>>) src(%dma_wait3A_563 : memref<10000x128xf32, #tpu.memory_space<hbm>>) dst(%arg14 : memref<128x128xf32, #tpu.memory_space<vmem>>)
      %dma_start3A_564 = arith.constant 0 : i32
      %dma_start3A_565 = arith.constant 0 : i32
      %dma_start3A_566 = tpu.memref_slice %arg14[%dma_start3A_564, %dma_start3A_565] : memref<128x128xf32, #tpu.memory_space<vmem>> -> memref<64x128xf32, #tpu.memory_space<vmem>>
      %dma_start3A_567 = arith.constant 0 : i32
      %dma_start3A_568 = arith.constant 0 : i32
      %dma_start3A_569 = tpu.memref_slice %arg15[%dma_start3A_567, %dma_start3A_568] : memref<10112x128xf32, #tpu.memory_space<vmem_shared>> -> memref<10112x128xf32, #tpu.memory_space<vmem_shared>>
      tpu.enqueue_indirect_dma source(%dma_start3A_566 : memref<64x128xf32, #tpu.memory_space<vmem>>) target(%dma_start3A_569 : memref<10112x128xf32, #tpu.memory_space<vmem_shared>>) offsets(%arg11 : memref<64xi32, #tpu.memory_space<vmem>>) semaphore(%arg20 : memref<!tpu.dma_semaphore, #tpu.memory_space<semaphore_mem>>) {add = true}
      %dma_start3A_570 = arith.constant 64 : i32
      %dma_start3A_571 = arith.constant 0 : i32
      %dma_start3A_572 = tpu.memref_slice %arg14[%dma_start3A_570, %dma_start3A_571] : memref<128x128xf32, #tpu.memory_space<vmem>> -> memref<64x128xf32, #tpu.memory_space<vmem>>
      %dma_start3A_573 = arith.constant 0 : i32
      %dma_start3A_574 = arith.constant 0 : i32
      %dma_start3A_575 = tpu.memref_slice %arg15[%dma_start3A_573, %dma_start3A_574] : memref<10112x128xf32, #tpu.memory_space<vmem_shared>> -> memref<10112x128xf32, #tpu.memory_space<vmem_shared>>
      tpu.enqueue_indirect_dma source(%dma_start3A_572 : memref<64x128xf32, #tpu.memory_space<vmem>>) target(%dma_start3A_575 : memref<10112x128xf32, #tpu.memory_space<vmem_shared>>) offsets(%arg12 : memref<64xi32, #tpu.memory_space<vmem>>) semaphore(%arg21 : memref<!tpu.dma_semaphore, #tpu.memory_space<semaphore_mem>>) {add = true}
      %mul3A_576 = arith.constant 2 : i32
      %mul3A_577 = arith.muli %mul3A_576, %scan3A_397 : i32
      %add3A_578 = arith.constant 3 : i32
      %add3A_579 = arith.addi %mul3A_577, %add3A_578 : i32
      %dma_wait3A_580 = arith.constant 0 : i32
      %dma_wait3A_581 = arith.constant 0 : i32
      %dma_wait3A_582 = tpu.memref_slice %arg14[%dma_wait3A_580, %dma_wait3A_581] : memref<128x128xf32, #tpu.memory_space<vmem>> -> memref<64x128xf32, #tpu.memory_space<vmem>>
      %dma_wait3A_583 = arith.constant 0 : i32
      %dma_wait3A_584 = arith.constant 0 : i32
      %dma_wait3A_585 = tpu.memref_slice %arg15[%dma_wait3A_583, %dma_wait3A_584] : memref<10112x128xf32, #tpu.memory_space<vmem_shared>> -> memref<10112x128xf32, #tpu.memory_space<vmem_shared>>
      tpu.wait_indirect_dma semaphore(%arg20 : memref<!tpu.dma_semaphore, #tpu.memory_space<semaphore_mem>>) src(%dma_wait3A_582 : memref<64x128xf32, #tpu.memory_space<vmem>>) dst(%dma_wait3A_585 : memref<10112x128xf32, #tpu.memory_space<vmem_shared>>)
      %dma_wait3A_586 = arith.constant 64 : i32
      %dma_wait3A_587 = arith.constant 0 : i32
      %dma_wait3A_588 = tpu.memref_slice %arg14[%dma_wait3A_586, %dma_wait3A_587] : memref<128x128xf32, #tpu.memory_space<vmem>> -> memref<64x128xf32, #tpu.memory_space<vmem>>
      %dma_wait3A_589 = arith.constant 0 : i32
      %dma_wait3A_590 = arith.constant 0 : i32
      %dma_wait3A_591 = tpu.memref_slice %arg15[%dma_wait3A_589, %dma_wait3A_590] : memref<10112x128xf32, #tpu.memory_space<vmem_shared>> -> memref<10112x128xf32, #tpu.memory_space<vmem_shared>>
      tpu.wait_indirect_dma semaphore(%arg21 : memref<!tpu.dma_semaphore, #tpu.memory_space<semaphore_mem>>) src(%dma_wait3A_588 : memref<64x128xf32, #tpu.memory_space<vmem>>) dst(%dma_wait3A_591 : memref<10112x128xf32, #tpu.memory_space<vmem_shared>>)
      %get3A_592 = arith.index_cast %add3A_579 : i32 to index
      %get3A_593 = arith.constant 0 : index
      %get3A_594 = tpu.vector_load %arg6[%get3A_592, %get3A_593] {strides = array<i32>} : memref<80x128xi32, #tpu.memory_space<vmem>>, vector<1x16xi32>,
      %get3A_595 = vector.shape_cast %get3A_594 : vector<1x16xi32> to vector<16xi32>
      %and3A_596 = arith.constant 16383 : i32
      %and3A_597 = vector.broadcast %and3A_596 : i32 to vector<16xi32>
      %and3A_598 = arith.andi %get3A_595, %and3A_597 : vector<16xi32>
      %swap3A_599 = arith.constant 0 : index
      %swap3A_600 = tpu.vector_load %arg8[%swap3A_599] {strides = array<i32>} : memref<128xi32, #tpu.memory_space<vmem>>, vector<16xi32>,
      %swap3A_601 = vector.shape_cast %swap3A_600 : vector<16xi32> to vector<16xi32>
      %swap3A_602 = vector.shape_cast %and3A_598 : vector<16xi32> to vector<16xi32>
      tpu.vector_store %arg8[%swap3A_599], %swap3A_602 {strides = array<i32>} : memref<128xi32, #tpu.memory_space<vmem>>, vector<16xi32>,
      %shift_right_logical3A_603 = arith.constant 14 : i32
      %shift_right_logical3A_604 = vector.broadcast %shift_right_logical3A_603 : i32 to vector<16xi32>
      %shift_right_logical3A_605 = arith.shrui %get3A_595, %shift_right_logical3A_604 : vector<16xi32>
      %swap3A_606 = arith.constant 0 : index
      %swap3A_607 = tpu.vector_load %arg11[%swap3A_606] {strides = array<i32>} : memref<64xi32, #tpu.memory_space<vmem>>, vector<16xi32>,
      %swap3A_608 = vector.shape_cast %swap3A_607 : vector<16xi32> to vector<16xi32>
      %swap3A_609 = vector.shape_cast %shift_right_logical3A_605 : vector<16xi32> to vector<16xi32>
      tpu.vector_store %arg11[%swap3A_606], %swap3A_609 {strides = array<i32>} : memref<64xi32, #tpu.memory_space<vmem>>, vector<16xi32>,
      %get3A_610 = arith.index_cast %add3A_579 : i32 to index
      %get3A_611 = arith.constant 16 : index
      %get3A_612 = tpu.vector_load %arg6[%get3A_610, %get3A_611] {strides = array<i32>} : memref<80x128xi32, #tpu.memory_space<vmem>>, vector<1x16xi32>,
      %get3A_613 = vector.shape_cast %get3A_612 : vector<1x16xi32> to vector<16xi32>
      %and3A_614 = arith.constant 16383 : i32
      %and3A_615 = vector.broadcast %and3A_614 : i32 to vector<16xi32>
      %and3A_616 = arith.andi %get3A_613, %and3A_615 : vector<16xi32>
      %swap3A_617 = arith.constant 16 : index
      %swap3A_618 = tpu.vector_load %arg8[%swap3A_617] {strides = array<i32>} : memref<128xi32, #tpu.memory_space<vmem>>, vector<16xi32>,
      %swap3A_619 = vector.shape_cast %swap3A_618 : vector<16xi32> to vector<16xi32>
      %swap3A_620 = vector.shape_cast %and3A_616 : vector<16xi32> to vector<16xi32>
      tpu.vector_store %arg8[%swap3A_617], %swap3A_620 {strides = array<i32>} : memref<128xi32, #tpu.memory_space<vmem>>, vector<16xi32>,
      %shift_right_logical3A_621 = arith.constant 14 : i32
      %shift_right_logical3A_622 = vector.broadcast %shift_right_logical3A_621 : i32 to vector<16xi32>
      %shift_right_logical3A_623 = arith.shrui %get3A_613, %shift_right_logical3A_622 : vector<16xi32>
      %swap3A_624 = arith.constant 16 : index
      %swap3A_625 = tpu.vector_load %arg11[%swap3A_624] {strides = array<i32>} : memref<64xi32, #tpu.memory_space<vmem>>, vector<16xi32>,
      %swap3A_626 = vector.shape_cast %swap3A_625 : vector<16xi32> to vector<16xi32>
      %swap3A_627 = vector.shape_cast %shift_right_logical3A_623 : vector<16xi32> to vector<16xi32>
      tpu.vector_store %arg11[%swap3A_624], %swap3A_627 {strides = array<i32>} : memref<64xi32, #tpu.memory_space<vmem>>, vector<16xi32>,
      %get3A_628 = arith.index_cast %add3A_579 : i32 to index
      %get3A_629 = arith.constant 32 : index
      %get3A_630 = tpu.vector_load %arg6[%get3A_628, %get3A_629] {strides = array<i32>} : memref<80x128xi32, #tpu.memory_space<vmem>>, vector<1x16xi32>,
      %get3A_631 = vector.shape_cast %get3A_630 : vector<1x16xi32> to vector<16xi32>
      %and3A_632 = arith.constant 16383 : i32
      %and3A_633 = vector.broadcast %and3A_632 : i32 to vector<16xi32>
      %and3A_634 = arith.andi %get3A_631, %and3A_633 : vector<16xi32>
      %swap3A_635 = arith.constant 32 : index
      %swap3A_636 = tpu.vector_load %arg8[%swap3A_635] {strides = array<i32>} : memref<128xi32, #tpu.memory_space<vmem>>, vector<16xi32>,
      %swap3A_637 = vector.shape_cast %swap3A_636 : vector<16xi32> to vector<16xi32>
      %swap3A_638 = vector.shape_cast %and3A_634 : vector<16xi32> to vector<16xi32>
      tpu.vector_store %arg8[%swap3A_635], %swap3A_638 {strides = array<i32>} : memref<128xi32, #tpu.memory_space<vmem>>, vector<16xi32>,
      %shift_right_logical3A_639 = arith.constant 14 : i32
      %shift_right_logical3A_640 = vector.broadcast %shift_right_logical3A_639 : i32 to vector<16xi32>
      %shift_right_logical3A_641 = arith.shrui %get3A_631, %shift_right_logical3A_640 : vector<16xi32>
      %swap3A_642 = arith.constant 32 : index
      %swap3A_643 = tpu.vector_load %arg11[%swap3A_642] {strides = array<i32>} : memref<64xi32, #tpu.memory_space<vmem>>, vector<16xi32>,
      %swap3A_644 = vector.shape_cast %swap3A_643 : vector<16xi32> to vector<16xi32>
      %swap3A_645 = vector.shape_cast %shift_right_logical3A_641 : vector<16xi32> to vector<16xi32>
      tpu.vector_store %arg11[%swap3A_642], %swap3A_645 {strides = array<i32>} : memref<64xi32, #tpu.memory_space<vmem>>, vector<16xi32>,
      %get3A_646 = arith.index_cast %add3A_579 : i32 to index
      %get3A_647 = arith.constant 48 : index
      %get3A_648 = tpu.vector_load %arg6[%get3A_646, %get3A_647] {strides = array<i32>} : memref<80x128xi32, #tpu.memory_space<vmem>>, vector<1x16xi32>,
      %get3A_649 = vector.shape_cast %get3A_648 : vector<1x16xi32> to vector<16xi32>
      %and3A_650 = arith.constant 16383 : i32
      %and3A_651 = vector.broadcast %and3A_650 : i32 to vector<16xi32>
      %and3A_652 = arith.andi %get3A_649, %and3A_651 : vector<16xi32>
      %swap3A_653 = arith.constant 48 : index
      %swap3A_654 = tpu.vector_load %arg8[%swap3A_653] {strides = array<i32>} : memref<128xi32, #tpu.memory_space<vmem>>, vector<16xi32>,
      %swap3A_655 = vector.shape_cast %swap3A_654 : vector<16xi32> to vector<16xi32>
      %swap3A_656 = vector.shape_cast %and3A_652 : vector<16xi32> to vector<16xi32>
      tpu.vector_store %arg8[%swap3A_653], %swap3A_656 {strides = array<i32>} : memref<128xi32, #tpu.memory_space<vmem>>, vector<16xi32>,
      %shift_right_logical3A_657 = arith.constant 14 : i32
      %shift_right_logical3A_658 = vector.broadcast %shift_right_logical3A_657 : i32 to vector<16xi32>
      %shift_right_logical3A_659 = arith.shrui %get3A_649, %shift_right_logical3A_658 : vector<16xi32>
      %swap3A_660 = arith.constant 48 : index
      %swap3A_661 = tpu.vector_load %arg11[%swap3A_660] {strides = array<i32>} : memref<64xi32, #tpu.memory_space<vmem>>, vector<16xi32>,
      %swap3A_662 = vector.shape_cast %swap3A_661 : vector<16xi32> to vector<16xi32>
      %swap3A_663 = vector.shape_cast %shift_right_logical3A_659 : vector<16xi32> to vector<16xi32>
      tpu.vector_store %arg11[%swap3A_660], %swap3A_663 {strides = array<i32>} : memref<64xi32, #tpu.memory_space<vmem>>, vector<16xi32>,
      %get3A_664 = arith.index_cast %add3A_579 : i32 to index
      %get3A_665 = arith.constant 64 : index
      %get3A_666 = tpu.vector_load %arg6[%get3A_664, %get3A_665] {strides = array<i32>} : memref<80x128xi32, #tpu.memory_space<vmem>>, vector<1x16xi32>,
      %get3A_667 = vector.shape_cast %get3A_666 : vector<1x16xi32> to vector<16xi32>
      %and3A_668 = arith.constant 16383 : i32
      %and3A_669 = vector.broadcast %and3A_668 : i32 to vector<16xi32>
      %and3A_670 = arith.andi %get3A_667, %and3A_669 : vector<16xi32>
      %swap3A_671 = arith.constant 64 : index
      %swap3A_672 = tpu.vector_load %arg8[%swap3A_671] {strides = array<i32>} : memref<128xi32, #tpu.memory_space<vmem>>, vector<16xi32>,
      %swap3A_673 = vector.shape_cast %swap3A_672 : vector<16xi32> to vector<16xi32>
      %swap3A_674 = vector.shape_cast %and3A_670 : vector<16xi32> to vector<16xi32>
      tpu.vector_store %arg8[%swap3A_671], %swap3A_674 {strides = array<i32>} : memref<128xi32, #tpu.memory_space<vmem>>, vector<16xi32>,
      %shift_right_logical3A_675 = arith.constant 14 : i32
      %shift_right_logical3A_676 = vector.broadcast %shift_right_logical3A_675 : i32 to vector<16xi32>
      %shift_right_logical3A_677 = arith.shrui %get3A_667, %shift_right_logical3A_676 : vector<16xi32>
      %swap3A_678 = arith.constant 0 : index
      %swap3A_679 = tpu.vector_load %arg12[%swap3A_678] {strides = array<i32>} : memref<64xi32, #tpu.memory_space<vmem>>, vector<16xi32>,
      %swap3A_680 = vector.shape_cast %swap3A_679 : vector<16xi32> to vector<16xi32>
      %swap3A_681 = vector.shape_cast %shift_right_logical3A_677 : vector<16xi32> to vector<16xi32>
      tpu.vector_store %arg12[%swap3A_678], %swap3A_681 {strides = array<i32>} : memref<64xi32, #tpu.memory_space<vmem>>, vector<16xi32>,
      %get3A_682 = arith.index_cast %add3A_579 : i32 to index
      %get3A_683 = arith.constant 80 : index
      %get3A_684 = tpu.vector_load %arg6[%get3A_682, %get3A_683] {strides = array<i32>} : memref<80x128xi32, #tpu.memory_space<vmem>>, vector<1x16xi32>,
      %get3A_685 = vector.shape_cast %get3A_684 : vector<1x16xi32> to vector<16xi32>
      %and3A_686 = arith.constant 16383 : i32
      %and3A_687 = vector.broadcast %and3A_686 : i32 to vector<16xi32>
      %and3A_688 = arith.andi %get3A_685, %and3A_687 : vector<16xi32>
      %swap3A_689 = arith.constant 80 : index
      %swap3A_690 = tpu.vector_load %arg8[%swap3A_689] {strides = array<i32>} : memref<128xi32, #tpu.memory_space<vmem>>, vector<16xi32>,
      %swap3A_691 = vector.shape_cast %swap3A_690 : vector<16xi32> to vector<16xi32>
      %swap3A_692 = vector.shape_cast %and3A_688 : vector<16xi32> to vector<16xi32>
      tpu.vector_store %arg8[%swap3A_689], %swap3A_692 {strides = array<i32>} : memref<128xi32, #tpu.memory_space<vmem>>, vector<16xi32>,
      %shift_right_logical3A_693 = arith.constant 14 : i32
      %shift_right_logical3A_694 = vector.broadcast %shift_right_logical3A_693 : i32 to vector<16xi32>
      %shift_right_logical3A_695 = arith.shrui %get3A_685, %shift_right_logical3A_694 : vector<16xi32>
      %swap3A_696 = arith.constant 16 : index
      %swap3A_697 = tpu.vector_load %arg12[%swap3A_696] {strides = array<i32>} : memref<64xi32, #tpu.memory_space<vmem>>, vector<16xi32>,
      %swap3A_698 = vector.shape_cast %swap3A_697 : vector<16xi32> to vector<16xi32>
      %swap3A_699 = vector.shape_cast %shift_right_logical3A_695 : vector<16xi32> to vector<16xi32>
      tpu.vector_store %arg12[%swap3A_696], %swap3A_699 {strides = array<i32>} : memref<64xi32, #tpu.memory_space<vmem>>, vector<16xi32>,
      %get3A_700 = arith.index_cast %add3A_579 : i32 to index
      %get3A_701 = arith.constant 96 : index
      %get3A_702 = tpu.vector_load %arg6[%get3A_700, %get3A_701] {strides = array<i32>} : memref<80x128xi32, #tpu.memory_space<vmem>>, vector<1x16xi32>,
      %get3A_703 = vector.shape_cast %get3A_702 : vector<1x16xi32> to vector<16xi32>
      %and3A_704 = arith.constant 16383 : i32
      %and3A_705 = vector.broadcast %and3A_704 : i32 to vector<16xi32>
      %and3A_706 = arith.andi %get3A_703, %and3A_705 : vector<16xi32>
      %swap3A_707 = arith.constant 96 : index
      %swap3A_708 = tpu.vector_load %arg8[%swap3A_707] {strides = array<i32>} : memref<128xi32, #tpu.memory_space<vmem>>, vector<16xi32>,
      %swap3A_709 = vector.shape_cast %swap3A_708 : vector<16xi32> to vector<16xi32>
      %swap3A_710 = vector.shape_cast %and3A_706 : vector<16xi32> to vector<16xi32>
      tpu.vector_store %arg8[%swap3A_707], %swap3A_710 {strides = array<i32>} : memref<128xi32, #tpu.memory_space<vmem>>, vector<16xi32>,
      %shift_right_logical3A_711 = arith.constant 14 : i32
      %shift_right_logical3A_712 = vector.broadcast %shift_right_logical3A_711 : i32 to vector<16xi32>
      %shift_right_logical3A_713 = arith.shrui %get3A_703, %shift_right_logical3A_712 : vector<16xi32>
      %swap3A_714 = arith.constant 32 : index
      %swap3A_715 = tpu.vector_load %arg12[%swap3A_714] {strides = array<i32>} : memref<64xi32, #tpu.memory_space<vmem>>, vector<16xi32>,
      %swap3A_716 = vector.shape_cast %swap3A_715 : vector<16xi32> to vector<16xi32>
      %swap3A_717 = vector.shape_cast %shift_right_logical3A_713 : vector<16xi32> to vector<16xi32>
      tpu.vector_store %arg12[%swap3A_714], %swap3A_717 {strides = array<i32>} : memref<64xi32, #tpu.memory_space<vmem>>, vector<16xi32>,
      %get3A_718 = arith.index_cast %add3A_579 : i32 to index
      %get3A_719 = arith.constant 112 : index
      %get3A_720 = tpu.vector_load %arg6[%get3A_718, %get3A_719] {strides = array<i32>} : memref<80x128xi32, #tpu.memory_space<vmem>>, vector<1x16xi32>,
      %get3A_721 = vector.shape_cast %get3A_720 : vector<1x16xi32> to vector<16xi32>
      %and3A_722 = arith.constant 16383 : i32
      %and3A_723 = vector.broadcast %and3A_722 : i32 to vector<16xi32>
      %and3A_724 = arith.andi %get3A_721, %and3A_723 : vector<16xi32>
      %swap3A_725 = arith.constant 112 : index
      %swap3A_726 = tpu.vector_load %arg8[%swap3A_725] {strides = array<i32>} : memref<128xi32, #tpu.memory_space<vmem>>, vector<16xi32>,
      %swap3A_727 = vector.shape_cast %swap3A_726 : vector<16xi32> to vector<16xi32>
      %swap3A_728 = vector.shape_cast %and3A_724 : vector<16xi32> to vector<16xi32>
      tpu.vector_store %arg8[%swap3A_725], %swap3A_728 {strides = array<i32>} : memref<128xi32, #tpu.memory_space<vmem>>, vector<16xi32>,
      %shift_right_logical3A_729 = arith.constant 14 : i32
      %shift_right_logical3A_730 = vector.broadcast %shift_right_logical3A_729 : i32 to vector<16xi32>
      %shift_right_logical3A_731 = arith.shrui %get3A_721, %shift_right_logical3A_730 : vector<16xi32>
      %swap3A_732 = arith.constant 48 : index
      %swap3A_733 = tpu.vector_load %arg12[%swap3A_732] {strides = array<i32>} : memref<64xi32, #tpu.memory_space<vmem>>, vector<16xi32>,
      %swap3A_734 = vector.shape_cast %swap3A_733 : vector<16xi32> to vector<16xi32>
      %swap3A_735 = vector.shape_cast %shift_right_logical3A_731 : vector<16xi32> to vector<16xi32>
      tpu.vector_store %arg12[%swap3A_732], %swap3A_735 {strides = array<i32>} : memref<64xi32, #tpu.memory_space<vmem>>, vector<16xi32>,
      %dma_start3A_736 = arith.constant 0 : i32
      %dma_start3A_737 = arith.constant 0 : i32
      %dma_start3A_738 = tpu.memref_slice %arg2[%dma_start3A_736, %dma_start3A_737] : memref<10000x128xf32, #tpu.memory_space<hbm>> -> memref<10000x128xf32, #tpu.memory_space<hbm>>
      tpu.enqueue_indirect_dma source(%dma_start3A_738 : memref<10000x128xf32, #tpu.memory_space<hbm>>) target(%arg14 : memref<128x128xf32, #tpu.memory_space<vmem>>) offsets(%arg8 : memref<128xi32, #tpu.memory_space<vmem>>) semaphore(%arg17 : memref<!tpu.dma_semaphore, #tpu.memory_space<semaphore_mem>>)
      %dma_wait3A_739 = arith.constant 0 : i32
      %dma_wait3A_740 = arith.constant 0 : i32
      %dma_wait3A_741 = tpu.memref_slice %arg2[%dma_wait3A_739, %dma_wait3A_740] : memref<10000x128xf32, #tpu.memory_space<hbm>> -> memref<10000x128xf32, #tpu.memory_space<hbm>>
      tpu.wait_indirect_dma semaphore(%arg16 : memref<!tpu.dma_semaphore, #tpu.memory_space<semaphore_mem>>) src(%dma_wait3A_741 : memref<10000x128xf32, #tpu.memory_space<hbm>>) dst(%arg13 : memref<128x128xf32, #tpu.memory_space<vmem>>)
      %dma_start3A_742 = arith.constant 0 : i32
      %dma_start3A_743 = arith.constant 0 : i32
      %dma_start3A_744 = tpu.memref_slice %arg13[%dma_start3A_742, %dma_start3A_743] : memref<128x128xf32, #tpu.memory_space<vmem>> -> memref<64x128xf32, #tpu.memory_space<vmem>>
      %dma_start3A_745 = arith.constant 0 : i32
      %dma_start3A_746 = arith.constant 0 : i32
      %dma_start3A_747 = tpu.memref_slice %arg15[%dma_start3A_745, %dma_start3A_746] : memref<10112x128xf32, #tpu.memory_space<vmem_shared>> -> memref<10112x128xf32, #tpu.memory_space<vmem_shared>>
      tpu.enqueue_indirect_dma source(%dma_start3A_744 : memref<64x128xf32, #tpu.memory_space<vmem>>) target(%dma_start3A_747 : memref<10112x128xf32, #tpu.memory_space<vmem_shared>>) offsets(%arg9 : memref<64xi32, #tpu.memory_space<vmem>>) semaphore(%arg18 : memref<!tpu.dma_semaphore, #tpu.memory_space<semaphore_mem>>) {add = true}
      %dma_start3A_748 = arith.constant 64 : i32
      %dma_start3A_749 = arith.constant 0 : i32
      %dma_start3A_750 = tpu.memref_slice %arg13[%dma_start3A_748, %dma_start3A_749] : memref<128x128xf32, #tpu.memory_space<vmem>> -> memref<64x128xf32, #tpu.memory_space<vmem>>
      %dma_start3A_751 = arith.constant 0 : i32
      %dma_start3A_752 = arith.constant 0 : i32
      %dma_start3A_753 = tpu.memref_slice %arg15[%dma_start3A_751, %dma_start3A_752] : memref<10112x128xf32, #tpu.memory_space<vmem_shared>> -> memref<10112x128xf32, #tpu.memory_space<vmem_shared>>
      tpu.enqueue_indirect_dma source(%dma_start3A_750 : memref<64x128xf32, #tpu.memory_space<vmem>>) target(%dma_start3A_753 : memref<10112x128xf32, #tpu.memory_space<vmem_shared>>) offsets(%arg10 : memref<64xi32, #tpu.memory_space<vmem>>) semaphore(%arg19 : memref<!tpu.dma_semaphore, #tpu.memory_space<semaphore_mem>>) {add = true}
    }
    %scan3A_356 = arith.constant 39 : i32
    %dma_wait3A_357 = arith.constant 0 : i32
    %dma_wait3A_358 = arith.constant 0 : i32
    %dma_wait3A_359 = tpu.memref_slice %arg2[%dma_wait3A_357, %dma_wait3A_358] : memref<10000x128xf32, #tpu.memory_space<hbm>> -> memref<10000x128xf32, #tpu.memory_space<hbm>>
    tpu.wait_indirect_dma semaphore(%arg17 : memref<!tpu.dma_semaphore, #tpu.memory_space<semaphore_mem>>) src(%dma_wait3A_359 : memref<10000x128xf32, #tpu.memory_space<hbm>>) dst(%arg14 : memref<128x128xf32, #tpu.memory_space<vmem>>)
    %dma_start3A_360 = arith.constant 0 : i32
    %dma_start3A_361 = arith.constant 0 : i32
    %dma_start3A_362 = tpu.memref_slice %arg14[%dma_start3A_360, %dma_start3A_361] : memref<128x128xf32, #tpu.memory_space<vmem>> -> memref<64x128xf32, #tpu.memory_space<vmem>>
    %dma_start3A_363 = arith.constant 0 : i32
    %dma_start3A_364 = arith.constant 0 : i32
    %dma_start3A_365 = tpu.memref_slice %arg15[%dma_start3A_363, %dma_start3A_364] : memref<10112x128xf32, #tpu.memory_space<vmem_shared>> -> memref<10112x128xf32, #tpu.memory_space<vmem_shared>>
    tpu.enqueue_indirect_dma source(%dma_start3A_362 : memref<64x128xf32, #tpu.memory_space<vmem>>) target(%dma_start3A_365 : memref<10112x128xf32, #tpu.memory_space<vmem_shared>>) offsets(%arg11 : memref<64xi32, #tpu.memory_space<vmem>>) semaphore(%arg20 : memref<!tpu.dma_semaphore, #tpu.memory_space<semaphore_mem>>) {add = true}
    %dma_start3A_366 = arith.constant 64 : i32
    %dma_start3A_367 = arith.constant 0 : i32
    %dma_start3A_368 = tpu.memref_slice %arg14[%dma_start3A_366, %dma_start3A_367] : memref<128x128xf32, #tpu.memory_space<vmem>> -> memref<64x128xf32, #tpu.memory_space<vmem>>
    %dma_start3A_369 = arith.constant 0 : i32
    %dma_start3A_370 = arith.constant 0 : i32
    %dma_start3A_371 = tpu.memref_slice %arg15[%dma_start3A_369, %dma_start3A_370] : memref<10112x128xf32, #tpu.memory_space<vmem_shared>> -> memref<10112x128xf32, #tpu.memory_space<vmem_shared>>
    tpu.enqueue_indirect_dma source(%dma_start3A_368 : memref<64x128xf32, #tpu.memory_space<vmem>>) target(%dma_start3A_371 : memref<10112x128xf32, #tpu.memory_space<vmem_shared>>) offsets(%arg12 : memref<64xi32, #tpu.memory_space<vmem>>) semaphore(%arg21 : memref<!tpu.dma_semaphore, #tpu.memory_space<semaphore_mem>>) {add = true}
    %dma_wait3A_372 = arith.constant 0 : i32
    %dma_wait3A_373 = arith.constant 0 : i32
    %dma_wait3A_374 = tpu.memref_slice %arg13[%dma_wait3A_372, %dma_wait3A_373] : memref<128x128xf32, #tpu.memory_space<vmem>> -> memref<64x128xf32, #tpu.memory_space<vmem>>
    %dma_wait3A_375 = arith.constant 0 : i32
    %dma_wait3A_376 = arith.constant 0 : i32
    %dma_wait3A_377 = tpu.memref_slice %arg15[%dma_wait3A_375, %dma_wait3A_376] : memref<10112x128xf32, #tpu.memory_space<vmem_shared>> -> memref<10112x128xf32, #tpu.memory_space<vmem_shared>>
    tpu.wait_indirect_dma semaphore(%arg18 : memref<!tpu.dma_semaphore, #tpu.memory_space<semaphore_mem>>) src(%dma_wait3A_374 : memref<64x128xf32, #tpu.memory_space<vmem>>) dst(%dma_wait3A_377 : memref<10112x128xf32, #tpu.memory_space<vmem_shared>>)
    %dma_wait3A_378 = arith.constant 64 : i32
    %dma_wait3A_379 = arith.constant 0 : i32
    %dma_wait3A_380 = tpu.memref_slice %arg13[%dma_wait3A_378, %dma_wait3A_379] : memref<128x128xf32, #tpu.memory_space<vmem>> -> memref<64x128xf32, #tpu.memory_space<vmem>>
    %dma_wait3A_381 = arith.constant 0 : i32
    %dma_wait3A_382 = arith.constant 0 : i32
    %dma_wait3A_383 = tpu.memref_slice %arg15[%dma_wait3A_381, %dma_wait3A_382] : memref<10112x128xf32, #tpu.memory_space<vmem_shared>> -> memref<10112x128xf32, #tpu.memory_space<vmem_shared>>
    tpu.wait_indirect_dma semaphore(%arg19 : memref<!tpu.dma_semaphore, #tpu.memory_space<semaphore_mem>>) src(%dma_wait3A_380 : memref<64x128xf32, #tpu.memory_space<vmem>>) dst(%dma_wait3A_383 : memref<10112x128xf32, #tpu.memory_space<vmem_shared>>)
    %dma_wait3A_384 = arith.constant 0 : i32
    %dma_wait3A_385 = arith.constant 0 : i32
    %dma_wait3A_386 = tpu.memref_slice %arg14[%dma_wait3A_384, %dma_wait3A_385] : memref<128x128xf32, #tpu.memory_space<vmem>> -> memref<64x128xf32, #tpu.memory_space<vmem>>
    %dma_wait3A_387 = arith.constant 0 : i32
    %dma_wait3A_388 = arith.constant 0 : i32
    %dma_wait3A_389 = tpu.memref_slice %arg15[%dma_wait3A_387, %dma_wait3A_388] : memref<10112x128xf32, #tpu.memory_space<vmem_shared>> -> memref<10112x128xf32, #tpu.memory_space<vmem_shared>>
    tpu.wait_indirect_dma semaphore(%arg20 : memref<!tpu.dma_semaphore, #tpu.memory_space<semaphore_mem>>) src(%dma_wait3A_386 : memref<64x128xf32, #tpu.memory_space<vmem>>) dst(%dma_wait3A_389 : memref<10112x128xf32, #tpu.memory_space<vmem_shared>>)
    %dma_wait3A_390 = arith.constant 64 : i32
    %dma_wait3A_391 = arith.constant 0 : i32
    %dma_wait3A_392 = tpu.memref_slice %arg14[%dma_wait3A_390, %dma_wait3A_391] : memref<128x128xf32, #tpu.memory_space<vmem>> -> memref<64x128xf32, #tpu.memory_space<vmem>>
    %dma_wait3A_393 = arith.constant 0 : i32
    %dma_wait3A_394 = arith.constant 0 : i32
    %dma_wait3A_395 = tpu.memref_slice %arg15[%dma_wait3A_393, %dma_wait3A_394] : memref<10112x128xf32, #tpu.memory_space<vmem_shared>> -> memref<10112x128xf32, #tpu.memory_space<vmem_shared>>
    tpu.wait_indirect_dma semaphore(%arg21 : memref<!tpu.dma_semaphore, #tpu.memory_space<semaphore_mem>>) src(%dma_wait3A_392 : memref<64x128xf32, #tpu.memory_space<vmem>>) dst(%dma_wait3A_395 : memref<10112x128xf32, #tpu.memory_space<vmem_shared>>)
    %barrier3A_396 = arith.constant 0 : index
    tpu.barrier barrier_id(%barrier3A_396)
    "tpu.region"() ({
      %run_scoped3A = tpu.sem_alloc : memref<!tpu.dma_semaphore, #tpu.memory_space<semaphore_mem>>
      %dma_start3A_397 = arith.constant 0 : i32
      %dma_start3A_398 = tpu.memref_slice %arg5[%arg0, %mul3A_4, %dma_start3A_397] : memref<2x10112x128xf32, #tpu.memory_space<hbm>> -> memref<1x632x128xf32, #tpu.memory_space<hbm>>
      %dma_start3A_399 = tpu.memref_squeeze %dma_start3A_398 : memref<1x632x128xf32, #tpu.memory_space<hbm>> -> memref<632x128xf32, #tpu.memory_space<hbm>>
      %dma_start3A_400 = arith.constant 0 : i32
      %dma_start3A_401 = tpu.memref_slice %arg15[%mul3A_4, %dma_start3A_400] : memref<10112x128xf32, #tpu.memory_space<vmem_shared>> -> memref<632x128xf32, #tpu.memory_space<vmem_shared>>
      tpu.enqueue_dma source(%dma_start3A_401 : memref<632x128xf32, #tpu.memory_space<vmem_shared>>) target(%dma_start3A_399 : memref<632x128xf32, #tpu.memory_space<hbm>>) target_semaphore(%run_scoped3A : memref<!tpu.dma_semaphore, #tpu.memory_space<semaphore_mem>>)
      %dma_wait3A_402 = arith.constant 0 : i32
      %dma_wait3A_403 = tpu.memref_slice %arg5[%arg0, %mul3A_4, %dma_wait3A_402] : memref<2x10112x128xf32, #tpu.memory_space<hbm>> -> memref<1x632x128xf32, #tpu.memory_space<hbm>>
      %dma_wait3A_404 = tpu.memref_squeeze %dma_wait3A_403 : memref<1x632x128xf32, #tpu.memory_space<hbm>> -> memref<632x128xf32, #tpu.memory_space<hbm>>
      %dma_wait3A_405 = arith.constant 0 : i32
      %dma_wait3A_406 = tpu.memref_slice %arg15[%mul3A_4, %dma_wait3A_405] : memref<10112x128xf32, #tpu.memory_space<vmem_shared>> -> memref<632x128xf32, #tpu.memory_space<vmem_shared>>
      tpu.wait_dma2 semaphore(%run_scoped3A : memref<!tpu.dma_semaphore, #tpu.memory_space<semaphore_mem>>) src(%dma_wait3A_406 : memref<632x128xf32, #tpu.memory_space<vmem_shared>>) dst(%dma_wait3A_404 : memref<632x128xf32, #tpu.memory_space<hbm>>)
      tpu.yield
    }) : () -> ()
    return
  }
}

module attributes {stable_mosaic.version = 14 : i64} {
  func.func @_mlp_body(%arg0: i32, %arg1: memref<2x2000x128xf32, #tpu.memory_space<vmem>>, %arg2: memref<128x128xf32, #tpu.memory_space<vmem>>, %arg3: memref<1x128xf32, #tpu.memory_space<vmem>>, %arg4: memref<1x128xf32, #tpu.memory_space<vmem>>, %arg5: memref<1x128xf32, #tpu.memory_space<vmem>>, %arg6: memref<1x128xf32, #tpu.memory_space<vmem>>, %arg7: memref<1x128xf32, #tpu.memory_space<vmem>>, %arg8: memref<128x128xf32, #tpu.memory_space<vmem>>, %arg9: memref<1x128xf32, #tpu.memory_space<vmem>>, %arg10: memref<1x128xf32, #tpu.memory_space<vmem>>, %arg11: memref<1x128xf32, #tpu.memory_space<vmem>>, %arg12: memref<1x128xf32, #tpu.memory_space<vmem>>, %arg13: memref<1x128xf32, #tpu.memory_space<vmem>>, %arg14: memref<128x128xf32, #tpu.memory_space<vmem>>, %arg15: memref<1x128xf32, #tpu.memory_space<vmem>>, %arg16: memref<2000x128xf32, #tpu.memory_space<vmem>>) attributes {dimension_semantics = [#tpu.dimension_semantics<arbitrary>], iteration_bounds = array<i64: 5>, scalar_prefetch = 0 : i64, scratch_operands = 0 : i64, tpu.core_type = #tpu.core_type<tc>, window_params = [{transform_indices = @transform_0, window_bounds = array<i64: 2, 2000, 128>}, {pipeline_mode = #tpu.pipeline_mode<synchronous>, transform_indices = @transform_1, window_bounds = array<i64: 128, 128>}, {pipeline_mode = #tpu.pipeline_mode<synchronous>, transform_indices = @transform_2, window_bounds = array<i64: 1, 128>}, {pipeline_mode = #tpu.pipeline_mode<synchronous>, transform_indices = @transform_3, window_bounds = array<i64: 1, 128>}, {pipeline_mode = #tpu.pipeline_mode<synchronous>, transform_indices = @transform_4, window_bounds = array<i64: 1, 128>}, {pipeline_mode = #tpu.pipeline_mode<synchronous>, transform_indices = @transform_5, window_bounds = array<i64: 1, 128>}, {pipeline_mode = #tpu.pipeline_mode<synchronous>, transform_indices = @transform_6, window_bounds = array<i64: 1, 128>}, {pipeline_mode = #tpu.pipeline_mode<synchronous>, transform_indices = @transform_7, window_bounds = array<i64: 128, 128>}, {pipeline_mode = #tpu.pipeline_mode<synchronous>, transform_indices = @transform_8, window_bounds = array<i64: 1, 128>}, {pipeline_mode = #tpu.pipeline_mode<synchronous>, transform_indices = @transform_9, window_bounds = array<i64: 1, 128>}, {pipeline_mode = #tpu.pipeline_mode<synchronous>, transform_indices = @transform_10, window_bounds = array<i64: 1, 128>}, {pipeline_mode = #tpu.pipeline_mode<synchronous>, transform_indices = @transform_11, window_bounds = array<i64: 1, 128>}, {pipeline_mode = #tpu.pipeline_mode<synchronous>, transform_indices = @transform_12, window_bounds = array<i64: 1, 128>}, {pipeline_mode = #tpu.pipeline_mode<synchronous>, transform_indices = @transform_13, window_bounds = array<i64: 128, 128>}, {pipeline_mode = #tpu.pipeline_mode<synchronous>, transform_indices = @transform_14, window_bounds = array<i64: 1, 128>}, {transform_indices = @transform_15, window_bounds = array<i64: 2000, 128>}]} {
    %get3A = arith.constant 0 : index
    %get3A_0 = arith.constant 0 : index
    %get3A_1 = vector.load %arg4[%get3A, %get3A_0] : memref<1x128xf32, #tpu.memory_space<vmem>>, vector<1x128xf32>
    %get3A_2 = arith.constant 0 : index
    %get3A_3 = arith.constant 0 : index
    %get3A_4 = vector.load %arg7[%get3A_2, %get3A_3] : memref<1x128xf32, #tpu.memory_space<vmem>>, vector<1x128xf32>
    %add3A = arith.constant 9.99999974E-6 : f32
    %add3A_5 = vector.broadcast %add3A : f32 to vector<1x128xf32>
    %add3A_6 = arith.addf %get3A_4, %add3A_5 : vector<1x128xf32>
    %rsqrt3A = math.rsqrt %add3A_6 : vector<1x128xf32>
    %mul3A = arith.mulf %get3A_1, %rsqrt3A : vector<1x128xf32>
    %get3A_7 = arith.constant 0 : index
    %get3A_8 = arith.constant 0 : index
    %get3A_9 = vector.load %arg3[%get3A_7, %get3A_8] : memref<1x128xf32, #tpu.memory_space<vmem>>, vector<1x128xf32>
    %get3A_10 = arith.constant 0 : index
    %get3A_11 = arith.constant 0 : index
    %get3A_12 = vector.load %arg6[%get3A_10, %get3A_11] : memref<1x128xf32, #tpu.memory_space<vmem>>, vector<1x128xf32>
    %sub3A = arith.subf %get3A_9, %get3A_12 : vector<1x128xf32>
    %mul3A_13 = arith.mulf %sub3A, %mul3A : vector<1x128xf32>
    %get3A_14 = arith.constant 0 : index
    %get3A_15 = arith.constant 0 : index
    %get3A_16 = vector.load %arg5[%get3A_14, %get3A_15] : memref<1x128xf32, #tpu.memory_space<vmem>>, vector<1x128xf32>
    %add3A_17 = arith.addf %mul3A_13, %get3A_16 : vector<1x128xf32>
    %get3A_18 = arith.constant 0 : index
    %get3A_19 = arith.constant 0 : index
    %get3A_20 = vector.load %arg10[%get3A_18, %get3A_19] : memref<1x128xf32, #tpu.memory_space<vmem>>, vector<1x128xf32>
    %get3A_21 = arith.constant 0 : index
    %get3A_22 = arith.constant 0 : index
    %get3A_23 = vector.load %arg13[%get3A_21, %get3A_22] : memref<1x128xf32, #tpu.memory_space<vmem>>, vector<1x128xf32>
    %add3A_24 = arith.constant 9.99999974E-6 : f32
    %add3A_25 = vector.broadcast %add3A_24 : f32 to vector<1x128xf32>
    %add3A_26 = arith.addf %get3A_23, %add3A_25 : vector<1x128xf32>
    %rsqrt3A_27 = math.rsqrt %add3A_26 : vector<1x128xf32>
    %mul3A_28 = arith.mulf %get3A_20, %rsqrt3A_27 : vector<1x128xf32>
    %get3A_29 = arith.constant 0 : index
    %get3A_30 = arith.constant 0 : index
    %get3A_31 = vector.load %arg9[%get3A_29, %get3A_30] : memref<1x128xf32, #tpu.memory_space<vmem>>, vector<1x128xf32>
    %get3A_32 = arith.constant 0 : index
    %get3A_33 = arith.constant 0 : index
    %get3A_34 = vector.load %arg12[%get3A_32, %get3A_33] : memref<1x128xf32, #tpu.memory_space<vmem>>, vector<1x128xf32>
    %sub3A_35 = arith.subf %get3A_31, %get3A_34 : vector<1x128xf32>
    %mul3A_36 = arith.mulf %sub3A_35, %mul3A_28 : vector<1x128xf32>
    %get3A_37 = arith.constant 0 : index
    %get3A_38 = arith.constant 0 : index
    %get3A_39 = vector.load %arg11[%get3A_37, %get3A_38] : memref<1x128xf32, #tpu.memory_space<vmem>>, vector<1x128xf32>
    %add3A_40 = arith.addf %mul3A_36, %get3A_39 : vector<1x128xf32>
    %get3A_41 = arith.constant 0 : index
    %get3A_42 = arith.constant 0 : index
    %get3A_43 = arith.constant 0 : index
    %get3A_44 = vector.load %arg1[%get3A_41, %get3A_42, %get3A_43] : memref<2x2000x128xf32, #tpu.memory_space<vmem>>, vector<1x2000x128xf32>
    %get3A_45 = vector.shape_cast %get3A_44 : vector<1x2000x128xf32> to vector<2000x128xf32>
    %get3A_46 = arith.constant 1 : index
    %get3A_47 = arith.constant 0 : index
    %get3A_48 = arith.constant 0 : index
    %get3A_49 = vector.load %arg1[%get3A_46, %get3A_47, %get3A_48] : memref<2x2000x128xf32, #tpu.memory_space<vmem>>, vector<1x2000x128xf32>
    %get3A_50 = vector.shape_cast %get3A_49 : vector<1x2000x128xf32> to vector<2000x128xf32>
    %add3A_51 = arith.addf %get3A_45, %get3A_50 : vector<2000x128xf32>
    %get3A_52 = arith.constant 0 : index
    %get3A_53 = arith.constant 0 : index
    %get3A_54 = vector.load %arg2[%get3A_52, %get3A_53] : memref<128x128xf32, #tpu.memory_space<vmem>>, vector<128x128xf32>
    %mul3A_55 = vector.broadcast %mul3A : vector<1x128xf32> to vector<128x128xf32>
    %mul3A_56 = arith.mulf %get3A_54, %mul3A_55 : vector<128x128xf32>
    %dot_general3A = arith.constant dense<0.000000e+00> : vector<2000x128xf32>
    %dot_general3A_57 = tpu.matmul %add3A_51, %mul3A_56, %dot_general3A {dimension_numbers = #tpu.dot_dimension_numbers<[1], [0], [0], [1], [0, 0, 1, 1], [], []>, transpose_lhs_hint = false} : vector<2000x128xf32>, vector<128x128xf32>, vector<2000x128xf32> -> vector<2000x128xf32>
    %add3A_58 = vector.broadcast %add3A_17 : vector<1x128xf32> to vector<2000x128xf32>
    %add3A_59 = arith.addf %dot_general3A_57, %add3A_58 : vector<2000x128xf32>
    %max3A = arith.constant 0.000000e+00 : f32
    %max3A_60 = vector.broadcast %max3A : f32 to vector<2000x128xf32>
    %max3A_61 = arith.maximumf %add3A_59, %max3A_60 : vector<2000x128xf32>
    %get3A_62 = arith.constant 0 : index
    %get3A_63 = arith.constant 0 : index
    %get3A_64 = vector.load %arg8[%get3A_62, %get3A_63] : memref<128x128xf32, #tpu.memory_space<vmem>>, vector<128x128xf32>
    %mul3A_65 = vector.broadcast %mul3A_28 : vector<1x128xf32> to vector<128x128xf32>
    %mul3A_66 = arith.mulf %get3A_64, %mul3A_65 : vector<128x128xf32>
    %dot_general3A_67 = arith.constant dense<0.000000e+00> : vector<2000x128xf32>
    %dot_general3A_68 = tpu.matmul %max3A_61, %mul3A_66, %dot_general3A_67 {dimension_numbers = #tpu.dot_dimension_numbers<[1], [0], [0], [1], [0, 0, 1, 1], [], []>, transpose_lhs_hint = false} : vector<2000x128xf32>, vector<128x128xf32>, vector<2000x128xf32> -> vector<2000x128xf32>
    %add3A_69 = vector.broadcast %add3A_40 : vector<1x128xf32> to vector<2000x128xf32>
    %add3A_70 = arith.addf %dot_general3A_68, %add3A_69 : vector<2000x128xf32>
    %max3A_71 = arith.constant 0.000000e+00 : f32
    %max3A_72 = vector.broadcast %max3A_71 : f32 to vector<2000x128xf32>
    %max3A_73 = arith.maximumf %add3A_70, %max3A_72 : vector<2000x128xf32>
    %get3A_74 = arith.constant 0 : index
    %get3A_75 = arith.constant 0 : index
    %get3A_76 = vector.load %arg14[%get3A_74, %get3A_75] : memref<128x128xf32, #tpu.memory_space<vmem>>, vector<128x128xf32>
    %dot_general3A_77 = arith.constant dense<0.000000e+00> : vector<2000x128xf32>
    %dot_general3A_78 = tpu.matmul %max3A_73, %get3A_76, %dot_general3A_77 {dimension_numbers = #tpu.dot_dimension_numbers<[1], [0], [0], [1], [0, 0, 1, 1], [], []>, transpose_lhs_hint = false} : vector<2000x128xf32>, vector<128x128xf32>, vector<2000x128xf32> -> vector<2000x128xf32>
    %get3A_79 = arith.constant 0 : index
    %get3A_80 = arith.constant 0 : index
    %get3A_81 = vector.load %arg15[%get3A_79, %get3A_80] : memref<1x128xf32, #tpu.memory_space<vmem>>, vector<1x128xf32>
    %add3A_82 = vector.broadcast %get3A_81 : vector<1x128xf32> to vector<2000x128xf32>
    %add3A_83 = arith.addf %dot_general3A_78, %add3A_82 : vector<2000x128xf32>
    %swap3A = arith.constant 0 : index
    %swap3A_84 = arith.constant 0 : index
    %swap3A_85 = vector.load %arg16[%swap3A, %swap3A_84] : memref<2000x128xf32, #tpu.memory_space<vmem>>, vector<2000x128xf32>
    tpu.vector_store %arg16[%swap3A, %swap3A_84], %add3A_83 {strides = array<i32>} : memref<2000x128xf32, #tpu.memory_space<vmem>>, vector<2000x128xf32>,
    return
  }
  func.func @transform_0(%arg0: i32) -> (i32, i32, i32) {
    %c0_i32 = arith.constant 0 : i32
    %c0_i32_0 = arith.constant 0 : i32
    %c0_i32_1 = arith.constant 0 : i32
    return %c0_i32, %arg0, %c0_i32_0 : i32, i32, i32
  }
  func.func @transform_1(%arg0: i32) -> (i32, i32) {
    %c0_i32 = arith.constant 0 : i32
    %c0_i32_0 = arith.constant 0 : i32
    %c0_i32_1 = arith.constant 0 : i32
    return %c0_i32, %c0_i32_0 : i32, i32
  }
  func.func @transform_2(%arg0: i32) -> (i32, i32) {
    %c0_i32 = arith.constant 0 : i32
    %c0_i32_0 = arith.constant 0 : i32
    %c0_i32_1 = arith.constant 0 : i32
    return %c0_i32, %c0_i32_0 : i32, i32
  }
  func.func @transform_3(%arg0: i32) -> (i32, i32) {
    %c0_i32 = arith.constant 0 : i32
    %c0_i32_0 = arith.constant 0 : i32
    %c0_i32_1 = arith.constant 0 : i32
    return %c0_i32, %c0_i32_0 : i32, i32
  }
  func.func @transform_4(%arg0: i32) -> (i32, i32) {
    %c0_i32 = arith.constant 0 : i32
    %c0_i32_0 = arith.constant 0 : i32
    %c0_i32_1 = arith.constant 0 : i32
    return %c0_i32, %c0_i32_0 : i32, i32
  }
  func.func @transform_5(%arg0: i32) -> (i32, i32) {
    %c0_i32 = arith.constant 0 : i32
    %c0_i32_0 = arith.constant 0 : i32
    %c0_i32_1 = arith.constant 0 : i32
    return %c0_i32, %c0_i32_0 : i32, i32
  }
  func.func @transform_6(%arg0: i32) -> (i32, i32) {
    %c0_i32 = arith.constant 0 : i32
    %c0_i32_0 = arith.constant 0 : i32
    %c0_i32_1 = arith.constant 0 : i32
    return %c0_i32, %c0_i32_0 : i32, i32
  }
  func.func @transform_7(%arg0: i32) -> (i32, i32) {
    %c0_i32 = arith.constant 0 : i32
    %c0_i32_0 = arith.constant 0 : i32
    %c0_i32_1 = arith.constant 0 : i32
    return %c0_i32, %c0_i32_0 : i32, i32
  }
  func.func @transform_8(%arg0: i32) -> (i32, i32) {
    %c0_i32 = arith.constant 0 : i32
    %c0_i32_0 = arith.constant 0 : i32
    %c0_i32_1 = arith.constant 0 : i32
    return %c0_i32, %c0_i32_0 : i32, i32
  }
  func.func @transform_9(%arg0: i32) -> (i32, i32) {
    %c0_i32 = arith.constant 0 : i32
    %c0_i32_0 = arith.constant 0 : i32
    %c0_i32_1 = arith.constant 0 : i32
    return %c0_i32, %c0_i32_0 : i32, i32
  }
  func.func @transform_10(%arg0: i32) -> (i32, i32) {
    %c0_i32 = arith.constant 0 : i32
    %c0_i32_0 = arith.constant 0 : i32
    %c0_i32_1 = arith.constant 0 : i32
    return %c0_i32, %c0_i32_0 : i32, i32
  }
  func.func @transform_11(%arg0: i32) -> (i32, i32) {
    %c0_i32 = arith.constant 0 : i32
    %c0_i32_0 = arith.constant 0 : i32
    %c0_i32_1 = arith.constant 0 : i32
    return %c0_i32, %c0_i32_0 : i32, i32
  }
  func.func @transform_12(%arg0: i32) -> (i32, i32) {
    %c0_i32 = arith.constant 0 : i32
    %c0_i32_0 = arith.constant 0 : i32
    %c0_i32_1 = arith.constant 0 : i32
    return %c0_i32, %c0_i32_0 : i32, i32
  }
  func.func @transform_13(%arg0: i32) -> (i32, i32) {
    %c0_i32 = arith.constant 0 : i32
    %c0_i32_0 = arith.constant 0 : i32
    %c0_i32_1 = arith.constant 0 : i32
    return %c0_i32, %c0_i32_0 : i32, i32
  }
  func.func @transform_14(%arg0: i32) -> (i32, i32) {
    %c0_i32 = arith.constant 0 : i32
    %c0_i32_0 = arith.constant 0 : i32
    %c0_i32_1 = arith.constant 0 : i32
    return %c0_i32, %c0_i32_0 : i32, i32
  }
  func.func @transform_15(%arg0: i32) -> (i32, i32) {
    %c0_i32 = arith.constant 0 : i32
    %c0_i32_0 = arith.constant 0 : i32
    return %arg0, %c0_i32 : i32, i32
  }
}

module attributes {stable_mosaic.version = 14 : i64} {
  func.func @_pack_body(%arg0: i32, %arg1: memref<2x32768xi32, #tpu.memory_space<vmem>>, %arg2: memref<256x128xi32, #tpu.memory_space<vmem>>) attributes {dimension_semantics = [#tpu.dimension_semantics<arbitrary>], iteration_bounds = array<i64: 10>, scalar_prefetch = 0 : i64, scratch_operands = 0 : i64, tpu.core_type = #tpu.core_type<tc>, window_params = [{transform_indices = @transform_0, window_bounds = array<i64: 2, 32768>}, {transform_indices = @transform_1, window_bounds = array<i64: 256, 128>}]} {
    %get3A = arith.constant 0 : index
    %get3A_0 = arith.constant 0 : index
    %get3A_1 = vector.load %arg1[%get3A, %get3A_0] : memref<2x32768xi32, #tpu.memory_space<vmem>>, vector<2x32768xi32>
    %slice3A = vector.extract_strided_slice %get3A_1 {offsets = [1, 0], sizes = [1, 32768], strides = [1, 1]} : vector<2x32768xi32> to vector<1x32768xi32>
    %squeeze3A = vector.shape_cast %slice3A : vector<1x32768xi32> to vector<32768xi32>
    %shift_left3A = arith.constant 14 : i32
    %shift_left3A_2 = vector.broadcast %shift_left3A : i32 to vector<32768xi32>
    %shift_left3A_3 = arith.shli %squeeze3A, %shift_left3A_2 : vector<32768xi32>
    %slice3A_4 = vector.extract_strided_slice %get3A_1 {offsets = [0, 0], sizes = [1, 32768], strides = [1, 1]} : vector<2x32768xi32> to vector<1x32768xi32>
    %squeeze3A_5 = vector.shape_cast %slice3A_4 : vector<1x32768xi32> to vector<32768xi32>
    %or3A = arith.ori %shift_left3A_3, %squeeze3A_5 : vector<32768xi32>
    %reshape3A = vector.shape_cast %or3A : vector<32768xi32> to vector<256x128xi32>
    %mul3A = arith.constant 32768 : i32
    %mul3A_6 = arith.muli %arg0, %mul3A : i32
    %iota3A = tpu.iota {dimensions = array<i32: 0>} : vector<256x128xi32>
    %mul3A_7 = arith.constant 128 : i32
    %mul3A_8 = vector.broadcast %mul3A_7 : i32 to vector<256x128xi32>
    %mul3A_9 = arith.muli %iota3A, %mul3A_8 : vector<256x128xi32>
    %add3A = vector.broadcast %mul3A_6 : i32 to vector<256x128xi32>
    %add3A_10 = arith.addi %add3A, %mul3A_9 : vector<256x128xi32>
    %iota3A_11 = tpu.iota {dimensions = array<i32: 1>} : vector<256x128xi32>
    %add3A_12 = arith.addi %add3A_10, %iota3A_11 : vector<256x128xi32>
    %sub3A = arith.constant 320000 : i32
    %sub3A_13 = vector.broadcast %sub3A : i32 to vector<256x128xi32>
    %sub3A_14 = arith.subi %add3A_12, %sub3A_13 : vector<256x128xi32>
    %max3A = arith.constant 0 : i32
    %max3A_15 = vector.broadcast %max3A : i32 to vector<256x128xi32>
    %max3A_16 = arith.maxsi %sub3A_14, %max3A_15 : vector<256x128xi32>
    %jit3A = arith.constant 112 : i32
    %eq3A = arith.constant 0 : i32
    %eq3A_17 = arith.cmpi eq, %jit3A, %eq3A : i32
    %jit3A_18 = arith.constant 1 : i32
    %select_n3A = arith.select %eq3A_17, %jit3A_18, %jit3A : i32
    %rem3A = vector.broadcast %select_n3A : i32 to vector<256x128xi32>
    %rem3A_19 = arith.remsi %max3A_16, %rem3A : vector<256x128xi32>
    %ne3A = arith.constant 0 : i32
    %ne3A_20 = vector.broadcast %ne3A : i32 to vector<256x128xi32>
    %ne3A_21 = arith.cmpi ne, %rem3A_19, %ne3A_20 : vector<256x128xi32>
    %lt3A = arith.constant 0 : i32
    %lt3A_22 = vector.broadcast %lt3A : i32 to vector<256x128xi32>
    %lt3A_23 = arith.cmpi slt, %rem3A_19, %lt3A_22 : vector<256x128xi32>
    %lt3A_24 = arith.constant 0 : i32
    %lt3A_25 = arith.cmpi slt, %select_n3A, %lt3A_24 : i32
    %ne3A_26 = vector.broadcast %lt3A_25 : i1 to vector<256x128xi1>
    %ne3A_27 = vector.broadcast %ne3A_26 : vector<256x128xi1> to vector<256x128xi1>
    %ne3A_28 = arith.xori %lt3A_23, %ne3A_27 : vector<256x128xi1>
    %and3A = arith.andi %ne3A_28, %ne3A_21 : vector<256x128xi1>
    %add3A_29 = vector.broadcast %select_n3A : i32 to vector<256x128xi32>
    %add3A_30 = arith.addi %rem3A_19, %add3A_29 : vector<256x128xi32>
    %select_n3A_31 = arith.select %and3A, %add3A_30, %rem3A_19 : vector<256x128xi1>, vector<256x128xi32>
    %add3A_32 = arith.constant 10000 : i32
    %add3A_33 = vector.broadcast %add3A_32 : i32 to vector<256x128xi32>
    %add3A_34 = arith.addi %add3A_33, %select_n3A_31 : vector<256x128xi32>
    %shift_left3A_35 = arith.constant 14 : i32
    %shift_left3A_36 = vector.broadcast %shift_left3A_35 : i32 to vector<256x128xi32>
    %shift_left3A_37 = arith.shli %add3A_34, %shift_left3A_36 : vector<256x128xi32>
    %mul3A_38 = arith.constant 13 : i32
    %mul3A_39 = vector.broadcast %mul3A_38 : i32 to vector<256x128xi32>
    %mul3A_40 = arith.muli %max3A_16, %mul3A_39 : vector<256x128xi32>
    %jit3A_41 = arith.constant 10000 : i32
    %eq3A_42 = arith.constant 0 : i32
    %eq3A_43 = arith.cmpi eq, %jit3A_41, %eq3A_42 : i32
    %jit3A_44 = arith.constant 1 : i32
    %select_n3A_45 = arith.select %eq3A_43, %jit3A_44, %jit3A_41 : i32
    %rem3A_46 = vector.broadcast %select_n3A_45 : i32 to vector<256x128xi32>
    %rem3A_47 = arith.remsi %mul3A_40, %rem3A_46 : vector<256x128xi32>
    %ne3A_48 = arith.constant 0 : i32
    %ne3A_49 = vector.broadcast %ne3A_48 : i32 to vector<256x128xi32>
    %ne3A_50 = arith.cmpi ne, %rem3A_47, %ne3A_49 : vector<256x128xi32>
    %lt3A_51 = arith.constant 0 : i32
    %lt3A_52 = vector.broadcast %lt3A_51 : i32 to vector<256x128xi32>
    %lt3A_53 = arith.cmpi slt, %rem3A_47, %lt3A_52 : vector<256x128xi32>
    %lt3A_54 = arith.constant 0 : i32
    %lt3A_55 = arith.cmpi slt, %select_n3A_45, %lt3A_54 : i32
    %ne3A_56 = vector.broadcast %lt3A_55 : i1 to vector<256x128xi1>
    %ne3A_57 = vector.broadcast %ne3A_56 : vector<256x128xi1> to vector<256x128xi1>
    %ne3A_58 = arith.xori %lt3A_53, %ne3A_57 : vector<256x128xi1>
    %and3A_59 = arith.andi %ne3A_58, %ne3A_50 : vector<256x128xi1>
    %add3A_60 = vector.broadcast %select_n3A_45 : i32 to vector<256x128xi32>
    %add3A_61 = arith.addi %rem3A_47, %add3A_60 : vector<256x128xi32>
    %select_n3A_62 = arith.select %and3A_59, %add3A_61, %rem3A_47 : vector<256x128xi1>, vector<256x128xi32>
    %or3A_63 = arith.ori %shift_left3A_37, %select_n3A_62 : vector<256x128xi32>
    %lt3A_64 = arith.constant 320000 : i32
    %lt3A_65 = vector.broadcast %lt3A_64 : i32 to vector<256x128xi32>
    %lt3A_66 = arith.cmpi slt, %add3A_12, %lt3A_65 : vector<256x128xi32>
    %select_n3A_67 = arith.select %lt3A_66, %reshape3A, %or3A_63 : vector<256x128xi1>, vector<256x128xi32>
    %swap3A = arith.constant 0 : index
    %swap3A_68 = arith.constant 0 : index
    %swap3A_69 = vector.load %arg2[%swap3A, %swap3A_68] : memref<256x128xi32, #tpu.memory_space<vmem>>, vector<256x128xi32>
    tpu.vector_store %arg2[%swap3A, %swap3A_68], %select_n3A_67 {strides = array<i32>} : memref<256x128xi32, #tpu.memory_space<vmem>>, vector<256x128xi32>,
    return
  }
  func.func @transform_0(%arg0: i32) -> (i32, i32) {
    %c0_i32 = arith.constant 0 : i32
    %c0_i32_0 = arith.constant 0 : i32
    return %c0_i32, %arg0 : i32, i32
  }
  func.func @transform_1(%arg0: i32) -> (i32, i32) {
    %c0_i32 = arith.constant 0 : i32
    %c0_i32_0 = arith.constant 0 : i32
    return %arg0, %c0_i32 : i32, i32
  }
}

</mosaic_0001>

<sc_bundles>
// kernel: kernel.5.cloned.1.call-start
scs
__scs_entry_jumppad:
0x0: {  	(pc) =	sbr.rel $0x88, $3  }
0x1: {  	(tag) =	ssettag $0x0;
	lr =	simm.s32 $0x1  }
0x2: {  	[smem:$0x3F91] =	sst lr;
	_ =	strace $0xD0000000  }
0x3: {  	_ = 	snop  }
0x4: {  	_ = 	snop  }
0x5: {  	_ = 	snop  }
0x6: {  	_ = 	snop  }
0x7: {  	_ = 	snop  }
__scs_overlays_trampoline_lowered:
0x8: {  	[smem:$0x3FA0] =	sst s0  }
0x9: {  	[smem:$0x3FA1] =	sst s1  }
0xa: {  	[smem:$0x3FA2] =	sst s2  }
0xb: {  	[smem:$0x3FA3] =	sst s3  }
0xc: {  	[smem:$0x3FA4] =	sst s4  }
0xd: {  	[smem:$0x3FA5] =	sst s5  }
0xe: {  	[smem:$0x3FA6] =	sst s6  }
0xf: {  	[smem:$0x3FA7] =	sst s7  }
0x10: {  	[smem:$0x3FA8] =	sst s8  }
0x11: {  	[smem:$0x3FA9] =	sst s9;
	s0 =	simm.s32 @!p0 $0x0  }
0x12: {  	s1 =	sld [smem:$0x3F8F];
	s0 =	simm.s32 @p0 $0x1  }
0x13: {  	[smem:$0x3FAA] =	sst s0;
	s0 =	simm.s32 @!p1 $0x0  }
0x14: {  	s2 =	sld [smem:$0x3F8E];
	s0 =	simm.s32 @p1 $0x1  }
0x15: {  	[smem:$0x3FAB] =	sst s0;
	s0 =	simm.s32 @!p2 $0x0  }
0x16: {  	s3 =	sld [smem:$0x3FDB];
	s0 =	simm.s32 @p2 $0x1  }
0x17: {  	s4 =	simm.s32 $0x1BF5;
	[smem:$0x3FAD] =	sst s0  }
0x18: {  	s0 =	sld [smem:$0x3F90];
	_ =	swait.ge [sflag:s4], $0x0  }
0x19: {  	s7 =	sld [smem:$0x3F91]  }
0x1a: {  	s8 =	sadd.s32 $0xFFFFE003, lr  }
0x1b: {  	s9 =	sadd.s32 $0xFFFFFEF7, lr;
	s5 =	simm.s32 $0xFFFFFFFF;
	p2 =	slt.u32 s8, $0xFFFFF086  }
0x1c: {  	p1 =	slt.u32 s9, $0xF7A;
	s5 =	simm.s32 @!p2 $0x0  }
0x1d: {  	s5 =	simm.s32 @p1 $0x1;
	p0 =	seq.s32 s7, s2  }
0x1e: {  	s7 =	smul.u32 @!p0 $0xF7A, s2;
	p2 =	seq.s32 @!p0 s5, $0x0  }
0x1f: {  	s9 =	smul.u32 $0xF7A, s1;
	s8 =	simm.s32 @!p0 $0x1BF5;
	p2 =	por !p2, p0  }
0x20: {  	[sflag:s8] =	ssyncset.s32 @!p0 $0xFFFFF086;
	s6 =	sadd.s32 @!p0 s3, s7;
	s7 =	simm.s32 @!p0 $0x108  }
0x21: {  	s3 =	sadd.s32 s3, s9;
	s6 =	sadd.s32 @!p0 $0x88, s6;
	s7 =	simm.s32 @p2 $0x1082  }
0x22: {  	[simem:s7], [sflag:s8] =	dma.local @!p0 [hbm:s6], $0xF7A  }
0x23: {  	s9 =	sor.u32 $0xD0000000, s2;
	s6 =	simm.s32 $0x108;
	_ =	swait.ge @!p0 [sflag:s8], $0x0  }
0x24: {  	s3 =	sadd.s32 $0x88, s3;
	s6 =	simm.s32 @!p1 $0x1082;
	[sflag:s4] =	ssyncset.s32 $0xFFFFF086  }
0x25: {  	[simem:s6], [sflag:s4] =	dma.local [hbm:s3], $0xF7A  }
0x26: {  	[smem:$0x3F91] =	sst s1;
	(tag) =	ssettag s2;
	_ =	strace s9  }
0x27: {  	s1 =	sld [smem:$0x3FA1]  }
0x28: {  	s2 =	sld [smem:$0x3FA2]  }
0x29: {  	s4 =	sld [smem:$0x3FA4]  }
0x2a: {  	p0 =	seq.s32 s5, $0x0;
	s5 =	sld [smem:$0x3FA5]  }
0x2b: {  	s6 =	sld [smem:$0x3FA6]  }
0x2c: {  	s7 =	sld [smem:$0x3FA7]  }
0x2d: {  	s3 =	simm.s32 $0x108;
	s8 =	sld [smem:$0x3FA8]  }
0x2e: {  	s3 =	simm.s32 @!p0 $0x1082;
	s9 =	sld [smem:$0x3FA9]  }
0x2f: {  	lr =	sadd.s32 s0, s3;
	s0 =	sld [smem:$0x3FA0]  }
0x30: {  	s3 =	sld [smem:$0x3FA3]  }
0x31: {  	[smem:$0x3FAC] =	sst s10  }
0x32: {  	s10 =	sld [smem:$0x3FAA];
	_ =	sdelay $0x3  }
0x33: {  	p0 =	seq.s32 s10, $0x1;
	s10 =	sld [smem:$0x3FAC];
	_ =	sdelay $0x3  }
0x34: {  	[smem:$0x3FAC] =	sst s10  }
0x35: {  	s10 =	sld [smem:$0x3FAB];
	_ =	sdelay $0x3  }
0x36: {  	p1 =	seq.s32 s10, $0x1;
	s10 =	sld [smem:$0x3FAC];
	_ =	sdelay $0x3  }
0x37: {  	[smem:$0x3FAC] =	sst s10  }
0x38: {  	s10 =	sld [smem:$0x3FAD]  }
0x39: {  	_ = 	snop;
	(pc) =	sbr.ind lr, $3  }
0x3a: {  	_ = 	snop  }
0x3b: {  	_ = 	snop  }
0x3c: {  	p2 =	seq.s32 s10, $0x1;
	s10 =	sld [smem:$0x3FAC]  }
0x3d: {  	_ =	shalt  }
0x3e: {  	_ =	shalt  }
0x3f: {  	_ =	shalt  }
0x40: {  	_ =	shalt  }
0x41: {  	_ =	shalt  }
0x42: {  	_ =	shalt  }
0x43: {  	_ =	shalt  }
0x44: {  	_ =	shalt  }
0x45: {  	_ =	shalt  }
0x46: {  	_ =	shalt  }
0x47: {  	_ =	shalt  }
0x48: {  	_ =	shalt  }
0x49: {  	_ =	shalt  }
0x4a: {  	_ =	shalt  }
0x4b: {  	_ =	shalt  }
0x4c: {  	_ =	shalt  }
0x4d: {  	_ =	shalt  }
0x4e: {  	_ =	shalt  }
0x4f: {  	_ =	shalt  }
0x50: {  	_ =	shalt  }
0x51: {  	_ =	shalt  }
0x52: {  	_ =	shalt  }
0x53: {  	_ =	shalt  }
0x54: {  	_ =	shalt  }
0x55: {  	_ =	shalt  }
0x56: {  	_ =	shalt  }
0x57: {  	_ =	shalt  }
0x58: {  	_ =	shalt  }
0x59: {  	_ =	shalt  }
0x5a: {  	_ =	shalt  }
0x5b: {  	_ =	shalt  }
0x5c: {  	_ =	shalt  }
0x5d: {  	_ =	shalt  }
0x5e: {  	_ =	shalt  }
0x5f: {  	_ =	shalt  }
0x60: {  	_ =	shalt  }
0x61: {  	_ =	shalt  }
0x62: {  	_ =	shalt  }
0x63: {  	_ =	shalt  }
0x64: {  	_ =	shalt  }
0x65: {  	_ =	shalt  }
0x66: {  	_ =	shalt  }
0x67: {  	_ =	shalt  }
0x68: {  	_ =	shalt  }
0x69: {  	_ =	shalt  }
0x6a: {  	_ =	shalt  }
0x6b: {  	_ =	shalt  }
0x6c: {  	_ =	shalt  }
0x6d: {  	_ =	shalt  }
0x6e: {  	_ =	shalt  }
0x6f: {  	_ =	shalt  }
0x70: {  	_ =	shalt  }
0x71: {  	_ =	shalt  }
0x72: {  	_ =	shalt  }
0x73: {  	_ =	shalt  }
0x74: {  	_ =	shalt  }
0x75: {  	_ =	shalt  }
0x76: {  	_ =	shalt  }
0x77: {  	_ =	shalt  }
0x78: {  	_ =	shalt  }
0x79: {  	_ =	shalt  }
0x7a: {  	_ =	shalt  }
0x7b: {  	_ =	shalt  }
0x7c: {  	_ =	shalt  }
0x7d: {  	_ =	shalt  }
0x7e: {  	_ =	shalt  }
0x7f: {  	_ =	shalt  }
0x80: {  	_ =	shalt  }
0x81: {  	_ =	shalt  }
0x82: {  	_ =	shalt  }
0x83: {  	_ =	shalt  }
0x84: {  	_ =	shalt  }
0x85: {  	_ =	shalt  }
0x86: {  	_ =	shalt  }
0x87: {  	_ =	shalt  }
.Lfunc_end0:
.L_simem_size_0:
called_computation_lowered:
.L_overlay_start_0:
0x88: {  	s2 =	sld [smem:$0x3FD9]  }
0x89: {  	s3 =	sld [smem:$0x3FFE];
	_ =	sdelay $0x1  }
0x8a: {  	s1 =	srdreg.scid  }
0x8b: {  	s0 =	sand.u32 $0x1, s1  }
0x8c: {  	s17 =	sshll.u32 s0, $0xA;
	s2 =	sadd.s32 s3, s2  }
0x8d: {  	s2 =	sadd.s32 s2, s17  }
0x8e: {  	[smem:$0x3FB8] =	sst s2  }
0x8f: {  	_ = 	snop  }
0x90: {  	s2 =	sld [smem:$0x3FC9]  }
0x91: {  	s18 =	sld [smem:$0x3FD0];
	(tm) =	ssettm $0x1  }
0x92: {  	s4 =	sld [smem:$0x3FFB];
	_ =	sdelay $0x3  }
0x93: {  	_ =	strace s4  }
0x94: {  	s4 =	sld [smem:$0x3FFC];
	_ =	sdelay $0x3  }
0x95: {  	_ =	strace s4  }
0x96: {  	s4 =	sld [smem:$0x3FFD];
	_ =	sdelay $0x3  }
0x97: {  	_ =	strace s4  }
0x98: {  	_ =	strace $0x8FFFFFFF  }
0x99: {  	s19 =	sld [smem:$0x3FDB];
	_ =	sdelay $0x1  }
0x9a: {  	s5 =	simm.s32 $_scs_section_size  }
0x9b: {  	s6 =	simm.s32 $_size__tile_overlayer_lowered;
	s7 =	simm.s32 $_tile_overlayer_lowered  }
0x9c: {  	s22 =	simm.s32 $0x1BFF;
	s21 =	sshll.u32 s7, $0x1;
	s4 =	sadd.s32 s5, s19  }
0x9d: {  	s8 =	simm.s32 $0x0;
	s20 =	sshll.u32 s6, $0x1;
	s6 =	sadd.s32 s21, s4  }
0x9e: {  	[timem:s8], [sflag:s22] =	dma.local [hbm:s6], s20  }
0x9f: {  	_ =	swait.ge [sflag:s22], s20  }
0xa0: {  	s5 =	ssub.s32 $0x0, s20;
	[sflag:s22] =	ssyncset.done $0x0  }
0xa1: {  	[sflag:s22] =	ssyncadd.s32 s5;
	_ =	sdelay $0x1  }
0xa2: {  	s23 =	simm.s32 $0x1B8B  }
0xa3: {  	_ =	swait.ge [sflag:s23], $0x1  }
0xa4: {  	[sflag:s23] =	ssyncset.done $0x0  }
0xa5: {  	s25 =	simm.s32 $0x1B8E;
	s24 =	sld [smem:$0x3FFE];
	[sflag:s23] =	ssyncadd.s32 $0xFFFFFFFF  }
0xa6: {  	s26 =	simm.s32 $execute0_lowered;
	[smem:$0x3FD2] =	sst s25  }
0xa7: {  	s6 =	sshll.u32 s26, $0x1;
	_ =	strace $0x80000046;
	[dreg:$0x1] =	wrdreg $0xFFFFFFFF  }
0xa8: {  	s28 =	simm.s32 $_size_execute0_lowered;
	s4 =	sadd.s32 s4, s6;
	[dreg:$0x0] =	wrdreg $0x0  }
0xa9: {  	s6 =	sshll.u32 s28, $0x1;
	[dreg:$0x2] =	wrdreg s4  }
0xaa: {  	[dreg:$0x3] =	wrdreg s6  }
0xab: {  	[dreg:$0x4] =	wrdreg $0xC0  }
0xac: {  	_ =	task [dreg:s8], $0x5FFFF  }
0xad: {  	[dreg:$0x1] =	wrdreg $0xFFFFFFFF  }
0xae: {  	[dreg:$0x0] =	wrdreg $0x60  }
0xaf: {  	[dreg:$0x2] =	wrdreg s2  }
0xb0: {  	[dreg:$0x3] =	wrdreg s18  }
0xb1: {  	[dreg:$0x4] =	wrdreg s24  }
0xb2: {  	[dreg:$0x5] =	wrdreg $0xAB000  }
0xb3: {  	[dreg:$0x6] =	wrdreg $0x9  }
0xb4: {  	_ =	task.clear_ibuf [dreg:s8], $0x7FFFF;
	_ =	strace $0x90000046  }
0xb5: {  	s29 =	simm.s32 $0x9;
	_ =	strace $0x80000048  }
0xb6: {  	_ =	swait.ge [sflag:s29], $0x1  }
0xb7: {  	[sflag:s29] =	ssyncadd.s32 $0xFFFFFFFF  }
0xb8: {  	_ =	strace $0x90000048  }
0xb9: {  	_ =	sfence  }
0xba: {  	s30 =	sld [smem:$0x0];
	_ =	sdelay $0x2  }
0xbb: {  	s31 =	sshll.u32 s1, $0xD;
	s1 =	sshrl.u32 s1, $0x2  }
0xbc: {  	s3 =	sand.u32 $0x4000, s31;
	s1 =	sadd.s32 s1, s30  }
0xbd: {  	s0 =	sor.u32 s3, s0;
	s1 =	sshll.u32 s1, $0x11  }
0xbe: {  	s0 =	sor.u32 s1, s0  }
0xbf: {  	s0 =	sadd.s32 $0x8F2B, s0  }
0xc0: {  	[sflag:s0] =	ssyncadd.remote.s32 $0x1  }
0xc1: {  	_ =	sfence.sel $0xFFFF  }
0xc2: {  	[dreg:$0x0] =	wrdreg $0xFFFFFFFF;
	(pc) =	sbr.abs _section_cstart, $3  }
0xc3: {  	[dreg:$0x1] =	wrdreg $0xFFFFFFFF  }
0xc4: {  	_ =	task.clear_ibuf [dreg:s8], $0x2FFFF;
	_ =	strace $0x9FFFFFFF  }
0xc5: {  	(tm) =	ssettm $0x7FFFFFFF  }
tec
execute0_lowered:
.L_overlay_start_1:
0x0: {  	(tag) =	ssettag $0x1  }
0x1: {  	s1 =	rddreg [dreg:$0x0]  }
0x2: {  	s0 =	rddreg [dreg:$0x1]  }
0x3: {  	s3 =	rddreg [dreg:$0x2]  }
0x4: {  	s2 =	rddreg [dreg:$0x3];
	s4 =	srdreg.scid  }
0x5: {  	s5 =	simm.s32 $0x0;
	s12 =	stileid.u32;
	s11 =	simm.s32 $0x7  }
0x6: {  	s17 =	simm.s32 $0x80;
	s18 =	simm.s32 $0x2800;
	s19 =	simm.s32 $0x2B00  }
0x7: {  	s28 =	simm.s32 $0x3;
	s29 =	simm.s32 $0x4;
	s30 =	simm.s32 $0x2  }
0x8: {  	s31 =	simm.s32 $0x2A00;
	s4 =	sand.u32 $0x1, s4;
	[smem:$0x7FF] =	sst s5  }
0x9: {  	s7 =	smul.u32 $0x13C00, s12;
	s5 =	sadd.s32 $0x2600, s3;
	p4 =	sne.s32 s12, $0xF  }
0xa: {  	p0 =	seq.s32 s12, $0xF;
	s22 =	smul.u32 $0x4F000, s12;
	s23 =	sadd.s32 $0x128400, s2  }
0xb: {  	s9 =	smul.u32 $0x2780, s12;
	s10 =	sadd.s32 $0x25080, s1;
	s25 =	sshll.u32 s12, $0x6  }
0xc: {  	s6 =	smul.u32 $0x13C000, s4;
	_ =	strace $0x80000047;
	s20 =	sshll.u32 s4, $0x4  }
0xd: {  	s8 =	ssub.s32 $0x2, s4;
	p2 =	seq.s32 s4, $0x1;
	[dreg:$0x5] =	wrdreg s10  }
0xe: {  	p3 =	seq.s32 s4, $0x0;
	s26 =	sshrl.u32 s23, $0x3;
	s23 =	simm.s32 $0x40  }
0xf: {  	s21 =	sshrl.u32 s8, $0x1;
	p1 =	por !p4, !p2;
	p2 =	por !p0, !p2  }
0x10: {  	s24 =	sadd.s32 s1, s9;
	p4 =	por !p3, !p4;
	[dreg:$0x9] =	wrdreg s26  }
0x11: {  	s26 =	simm.s32 $0x4B00;
	s6 =	sadd.s32 s7, s6;
	s7 =	sor.u32 s12, s20  }
0x12: {  	s8 =	ssub.s32 s8, s21;
	p1 =	por !p1, !p1;
	p2 =	por !p2, !p2  }
0x13: {  	[dreg:$0x6] =	wrdreg s24;
	p4 =	por !p4, !p4;
	s20 =	simm.s32 $0x2880  }
0x14: {  	s21 =	simm.s32 $0x6B00;
	s24 =	simm.s32 $0x2900;
	s6 =	sshrl.u32 s6, $0x3  }
0x15: {  	s7 =	smul.u32 $0x500, s7;
	s10 =	smax.u32 s8, $0x1;
	s4 =	sshll.u32 @p4 s12, $0x6  }
0x16: {  	s12 =	sor.u32 $0x1C07, s25;
	s25 =	simm.s32 $0x2980;
	s8 =	simm.s32 $0x0  }
0x17: {  	s3 =	sadd.s32 s6, s3;
	s6 =	sadd.s32 s0, s7;
	s0 =	sshrl.u32 s22, $0x2  }
0x18: {  	s9 =	sadd.s32 $0x4E00, s3;
	s3 =	sor.u32 @p4 $0x1C07, s4;
	s22 =	simm.s32 $0x1  }
0x19: {  	s7 =	simm.s32 $0x5;
	s4 =	simm.s32 $0x6;
	s0 =	sadd.s32 s0, s2  }
0x1a: {  	[dreg:$0x7] =	wrdreg s3;
	s13 =	sshrl.u32 s0, $0x3;
	s0 =	sshrl.u32 @p4 s0, $0x3  }
0x1b: {  	s3 =	simm.s32 $0x8B00;
	[dreg:$0x8] =	wrdreg s0;
	s0 =	simm.s32 $0x2A80  }
.LBB2_1:
.Ltmp0:
0x1c: {  	s14 =	simm.s32 $0x0;
	(pc) =	sbr.rel @!p1 .LBB2_4-.Ltmp0, $4  }
0x1d: {  	[tilespmem:s14], [sflag:$0x7] =	stream.linear.gather [hbm4b:s6+s14], $0x2800, $0x38;
	[tilespmem:$0x1E700] =	vst v63  }
0x1e: {  	_ =	swait.ge [sflag:s11], $0x2800  }
0x1f: {  	[sflag:s11] =	ssyncset.done $0x0  }
0x20: {  	[sflag:s11] =	ssyncadd.s32 $0xFFFFD800  }
.Ltmp1:
0x21: {  	s14 =	rddreg [dreg:$0x6];
	(pc) =	sbr.rel .LBB2_3-.Ltmp1, $4  }
0x22: {  	[spmem:s13], [sflag:s12] =	dma.local [hbm:s14], $0x2780  }
0x23: {  	_ =	swait.ge [sflag:s11], $0x2780  }
0x24: {  	[sflag:s11] =	ssyncset.done $0x0  }
0x25: {  	p5 =	por $0x0, $0x0;
	[sflag:s11] =	ssyncadd.s32 $0xFFFFD880  }
.LBB2_4:
.Ltmp2:
0x26: {  	(pc) =	sbr.rel @!p2 .LBB2_3-.Ltmp2, $2  }
0x27: {  	_ =	sdelay $0x2  }
0x28: {  	p5 =	por p0, p0  }
.Ltmp3:
0x29: {  	(pc) =	sbr.rel .LBB2_6-.Ltmp3, $2  }
0x2a: {  	_ =	sdelay $0x2  }
0x2b: {  	s14 =	simm.s32 $0xF;
	s16 =	rddreg [dreg:$0x5]  }
.LBB2_3:
0x2c: {  	s14 =	rddreg [dreg:$0x7]  }
0x2d: {  	s15 =	rddreg [dreg:$0x8];
	p6 =	por @p4 $0x1, $0x1  }
0x2e: {  	[spmem:s15], [sflag:s14] =	dma.local @p4 [hbm:s5], $0x2780  }
0x2f: {  	p6 =	por @!p4 p3, p3  }
0x30: {  	p5 =	por !p6, !p5  }
0x31: {  	p5 =	por !p5, !p5  }
.Ltmp4:
0x32: {  	_ = 	snop;
	(pc) =	sbr.rel @!p5 .LBB2_7-.Ltmp4, $4  }
0x33: {  	s14 =	simm.s32 @p4 $0x7  }
0x34: {  	_ =	swait.ge @p4 [sflag:s14], $0x2780  }
0x35: {  	[sflag:s14] =	ssyncset.done @p4 $0x0  }
0x36: {  	s16 =	smov.u32 s5;
	[sflag:s14] =	ssyncadd.s32 @p4 $0xFFFFD880;
	s14 =	stileid.u32  }
.LBB2_6:
0x37: {  	s14 =	sshll.u32 s14, $0x6  }
0x38: {  	s15 =	rddreg [dreg:$0x9];
	s14 =	sor.u32 $0x1C07, s14  }
0x39: {  	[spmem:s15], [sflag:s14] =	dma.local [hbm:s16], $0x2080  }
0x3a: {  	_ =	swait.ge [sflag:s11], $0x2080  }
0x3b: {  	[sflag:s11] =	ssyncset.done $0x0  }
0x3c: {  	[sflag:s11] =	ssyncadd.s32 $0xFFFFDF80  }
.LBB2_7:
0x3d: {  	[bflag:$0x0] =	sbarrier.arrive $0xFFFF  }
0x3e: {  	v0 =	vld [tilespmem:$0x0];
	_ =	sdelay $0x1  }
0x3f: {  	v1 =	vld [tilespmem:$0x10];
	_ =	sdelay $0x1  }
0x40: {  	v2 =	vld [tilespmem:$0x20]  }
0x41: {  	v3 =	vand.u32 $0x3FFF, v0  }
0x42: {  	v0 =	vshrl.u32 v0, $0xE;
	[tilespmem:$0x2800] =	vst v3;
	v3 =	vld [tilespmem:$0x30]  }
0x43: {  	[tilespmem:$0x2900] =	vst v0;
	v0 =	vand.u32 $0x3FFF, v1  }
0x44: {  	[tilespmem:$0x2810] =	vst v0;
	v0 =	vshrl.u32 v1, $0xE;
	v1 =	vld [tilespmem:$0x40]  }
0x45: {  	[tilespmem:$0x2910] =	vst v0;
	v0 =	vand.u32 $0x3FFF, v2  }
0x46: {  	[tilespmem:$0x2820] =	vst v0;
	v0 =	vshrl.u32 v2, $0xE;
	v2 =	vld [tilespmem:$0x50]  }
0x47: {  	[tilespmem:$0x2920] =	vst v0;
	v0 =	vand.u32 $0x3FFF, v3  }
0x48: {  	[tilespmem:$0x2830] =	vst v0;
	v0 =	vshrl.u32 v3, $0xE;
	v3 =	vld [tilespmem:$0x60]  }
0x49: {  	[tilespmem:$0x2930] =	vst v0;
	v0 =	vand.u32 $0x3FFF, v1  }
0x4a: {  	[tilespmem:$0x2840] =	vst v0;
	v0 =	vshrl.u32 v1, $0xE;
	v1 =	vld [tilespmem:$0x70]  }
0x4b: {  	[tilespmem:$0x2980] =	vst v0;
	v0 =	vand.u32 $0x3FFF, v2  }
0x4c: {  	[tilespmem:$0x2850] =	vst v0;
	v0 =	vshrl.u32 v2, $0xE  }
0x4d: {  	[tilespmem:$0x2990] =	vst v0;
	v0 =	vand.u32 $0x3FFF, v3  }
0x4e: {  	[tilespmem:$0x2860] =	vst v0;
	v0 =	vshrl.u32 v3, $0xE  }
0x4f: {  	[tilespmem:$0x29A0] =	vst v0;
	v0 =	vand.u32 $0x3FFF, v1  }
0x50: {  	[tilespmem:$0x2870] =	vst v0;
	v0 =	vshrl.u32 v1, $0xE  }
0x51: {  	[tilespmem:$0x29B0] =	vst v0  }
0x52: {  	[tilespmem:s19], [sflag:$0x1] =	stream.indirect.gather [hbm4b:s1+s17], $0x80, s18, s17, $0xb8;
	[tilespmem:$0x1E700] =	vst v63  }
0x53: {  	v0 =	vld [tilespmem:$0x80];
	_ =	sdelay $0x1  }
0x54: {  	v1 =	vld [tilespmem:$0x90];
	_ =	sdelay $0x1  }
0x55: {  	v2 =	vld [tilespmem:$0xA0]  }
0x56: {  	v3 =	vand.u32 $0x3FFF, v0  }
0x57: {  	v0 =	vshrl.u32 v0, $0xE;
	[tilespmem:$0x2880] =	vst v3;
	v3 =	vld [tilespmem:$0xB0]  }
0x58: {  	[tilespmem:$0x2A00] =	vst v0;
	v0 =	vand.u32 $0x3FFF, v1  }
0x59: {  	[tilespmem:$0x2890] =	vst v0;
	v0 =	vshrl.u32 v1, $0xE;
	v1 =	vld [tilespmem:$0xC0]  }
0x5a: {  	[tilespmem:$0x2A10] =	vst v0;
	v0 =	vand.u32 $0x3FFF, v2  }
0x5b: {  	[tilespmem:$0x28A0] =	vst v0;
	v0 =	vshrl.u32 v2, $0xE;
	v2 =	vld [tilespmem:$0xD0]  }
0x5c: {  	[tilespmem:$0x2A20] =	vst v0;
	v0 =	vand.u32 $0x3FFF, v3  }
0x5d: {  	[tilespmem:$0x28B0] =	vst v0;
	v0 =	vshrl.u32 v3, $0xE;
	v3 =	vld [tilespmem:$0xE0]  }
0x5e: {  	[tilespmem:$0x2A30] =	vst v0;
	v0 =	vand.u32 $0x3FFF, v1  }
0x5f: {  	[tilespmem:$0x28C0] =	vst v0;
	v0 =	vshrl.u32 v1, $0xE;
	v1 =	vld [tilespmem:$0xF0]  }
0x60: {  	[tilespmem:$0x2A80] =	vst v0;
	v0 =	vand.u32 $0x3FFF, v2  }
0x61: {  	[tilespmem:$0x28D0] =	vst v0;
	v0 =	vshrl.u32 v2, $0xE  }
0x62: {  	[tilespmem:$0x2A90] =	vst v0;
	v0 =	vand.u32 $0x3FFF, v3  }
0x63: {  	[tilespmem:$0x28E0] =	vst v0;
	v0 =	vshrl.u32 v3, $0xE  }
0x64: {  	[tilespmem:$0x2AA0] =	vst v0;
	v0 =	vand.u32 $0x3FFF, v1  }
0x65: {  	[tilespmem:$0x28F0] =	vst v0;
	v0 =	vshrl.u32 v1, $0xE  }
0x66: {  	[tilespmem:$0x2AB0] =	vst v0  }
0x67: {  	[tilespmem:s21], [sflag:$0x2] =	stream.indirect.gather [hbm4b:s1+s17], $0x80, s20, s17, $0xb8;
	[tilespmem:$0x1E700] =	vst v63  }
0x68: {  	_ =	swait.ge [sflag:s22], $0x4000  }
0x69: {  	[sflag:s22] =	ssyncset.done $0x0  }
0x6a: {  	[sflag:s22] =	ssyncadd.s32 $0xFFFFC000  }
0x6b: {  	[spmem:s2] =	stream.indirect.scatter.add.f32 [tilespmem:s19], [sflag:$0x3], $0x80, s24, s23, $0xb8;
	[tilespmem:$0x1E700] =	vst v63  }
0x6c: {  	_ = 	snop  }
0x6d: {  	[spmem:s2] =	stream.indirect.scatter.add.f32 [tilespmem:s26], [sflag:$0x4], $0x80, s25, s23, $0xb8;
	[tilespmem:$0x1E700] =	vst v63  }
0x6e: {  	_ =	swait.ge [sflag:s28], $0x2000  }
0x6f: {  	[sflag:s28] =	ssyncset.done $0x0  }
0x70: {  	[sflag:s28] =	ssyncadd.s32 $0xFFFFE000  }
0x71: {  	_ =	swait.ge [sflag:s29], $0x2000  }
0x72: {  	[sflag:s29] =	ssyncset.done $0x0  }
0x73: {  	s16 =	simm.s32 $0x1F0;
	[sflag:s29] =	ssyncadd.s32 $0xFFFFE000  }
0x74: {  	v0 =	vld [tilespmem:s16+$0xFFFFFF10];
	_ =	sdelay $0x4  }
0x75: {  	v1 =	vand.u32 $0x3FFF, v0  }
0x76: {  	v0 =	vshrl.u32 v0, $0xE;
	[tilespmem:$0x2800] =	vst v1  }
0x77: {  	[tilespmem:$0x2900] =	vst v0  }
0x78: {  	v0 =	vld [tilespmem:s16+$0xFFFFFF20];
	_ =	sdelay $0x4  }
0x79: {  	v1 =	vand.u32 $0x3FFF, v0  }
0x7a: {  	v0 =	vshrl.u32 v0, $0xE;
	[tilespmem:$0x2810] =	vst v1  }
0x7b: {  	[tilespmem:$0x2910] =	vst v0  }
0x7c: {  	v0 =	vld [tilespmem:s16+$0xFFFFFF30];
	_ =	sdelay $0x4  }
0x7d: {  	v1 =	vand.u32 $0x3FFF, v0  }
0x7e: {  	v0 =	vshrl.u32 v0, $0xE;
	[tilespmem:$0x2820] =	vst v1  }
0x7f: {  	[tilespmem:$0x2920] =	vst v0  }
0x80: {  	v0 =	vld [tilespmem:s16+$0xFFFFFF40];
	_ =	sdelay $0x4  }
0x81: {  	v1 =	vand.u32 $0x3FFF, v0  }
0x82: {  	v0 =	vshrl.u32 v0, $0xE;
	[tilespmem:$0x2830] =	vst v1  }
0x83: {  	[tilespmem:$0x2930] =	vst v0  }
0x84: {  	v0 =	vld [tilespmem:s16+$0xFFFFFF50];
	_ =	sdelay $0x4  }
0x85: {  	v1 =	vand.u32 $0x3FFF, v0  }
0x86: {  	v0 =	vshrl.u32 v0, $0xE;
	[tilespmem:$0x2840] =	vst v1  }
0x87: {  	[tilespmem:$0x2980] =	vst v0  }
0x88: {  	v0 =	vld [tilespmem:s16+$0xFFFFFF60];
	_ =	sdelay $0x4  }
0x89: {  	v1 =	vand.u32 $0x3FFF, v0  }
0x8a: {  	v0 =	vshrl.u32 v0, $0xE;
	[tilespmem:$0x2850] =	vst v1  }
0x8b: {  	[tilespmem:$0x2990] =	vst v0  }
0x8c: {  	v0 =	vld [tilespmem:s16+$0xFFFFFF70];
	_ =	sdelay $0x4  }
0x8d: {  	v1 =	vand.u32 $0x3FFF, v0  }
0x8e: {  	v0 =	vshrl.u32 v0, $0xE;
	[tilespmem:$0x2860] =	vst v1  }
0x8f: {  	[tilespmem:$0x29A0] =	vst v0  }
0x90: {  	v0 =	vld [tilespmem:s16+$0xFFFFFF80];
	_ =	sdelay $0x4  }
0x91: {  	v1 =	vand.u32 $0x3FFF, v0  }
0x92: {  	v0 =	vshrl.u32 v0, $0xE;
	[tilespmem:$0x2870] =	vst v1  }
0x93: {  	[tilespmem:$0x29B0] =	vst v0  }
0x94: {  	[tilespmem:s19], [sflag:$0x1] =	stream.indirect.gather [hbm4b:s1+s17], $0x80, s18, s17, $0xb8;
	[tilespmem:$0x1E700] =	vst v63  }
0x95: {  	_ =	swait.ge [sflag:s30], $0x4000  }
0x96: {  	[sflag:s30] =	ssyncset.done $0x0  }
0x97: {  	[sflag:s30] =	ssyncadd.s32 $0xFFFFC000  }
0x98: {  	[spmem:s2] =	stream.indirect.scatter.add.f32 [tilespmem:s21], [sflag:$0x5], $0x80, s31, s23, $0xb8;
	[tilespmem:$0x1E700] =	vst v63  }
0x99: {  	_ = 	snop  }
0x9a: {  	[spmem:s2] =	stream.indirect.scatter.add.f32 [tilespmem:s3], [sflag:$0x6], $0x80, s0, s23, $0xb8;
	[tilespmem:$0x1E700] =	vst v63  }
0x9b: {  	_ =	swait.ge [sflag:s7], $0x2000  }
0x9c: {  	[sflag:s7] =	ssyncset.done $0x0  }
0x9d: {  	[sflag:s7] =	ssyncadd.s32 $0xFFFFE000  }
0x9e: {  	_ =	swait.ge [sflag:s4], $0x2000  }
0x9f: {  	[sflag:s4] =	ssyncset.done $0x0  }
0xa0: {  	[sflag:s4] =	ssyncadd.s32 $0xFFFFE000  }
0xa1: {  	v0 =	vld [tilespmem:s16+$0xFFFFFF90];
	_ =	sdelay $0x4  }
0xa2: {  	v1 =	vand.u32 $0x3FFF, v0  }
0xa3: {  	v0 =	vshrl.u32 v0, $0xE;
	[tilespmem:$0x2880] =	vst v1  }
0xa4: {  	[tilespmem:$0x2A00] =	vst v0  }
0xa5: {  	v0 =	vld [tilespmem:s16+$0xFFFFFFA0];
	_ =	sdelay $0x4  }
0xa6: {  	v1 =	vand.u32 $0x3FFF, v0  }
0xa7: {  	v0 =	vshrl.u32 v0, $0xE;
	[tilespmem:$0x2890] =	vst v1  }
0xa8: {  	[tilespmem:$0x2A10] =	vst v0  }
0xa9: {  	v0 =	vld [tilespmem:s16+$0xFFFFFFB0];
	_ =	sdelay $0x4  }
0xaa: {  	v1 =	vand.u32 $0x3FFF, v0  }
0xab: {  	v0 =	vshrl.u32 v0, $0xE;
	[tilespmem:$0x28A0] =	vst v1  }
0xac: {  	[tilespmem:$0x2A20] =	vst v0  }
0xad: {  	v0 =	vld [tilespmem:s16+$0xFFFFFFC0];
	_ =	sdelay $0x4  }
0xae: {  	v1 =	vand.u32 $0x3FFF, v0  }
0xaf: {  	v0 =	vshrl.u32 v0, $0xE;
	[tilespmem:$0x28B0] =	vst v1  }
0xb0: {  	[tilespmem:$0x2A30] =	vst v0  }
0xb1: {  	v0 =	vld [tilespmem:s16+$0xFFFFFFD0];
	_ =	sdelay $0x4  }
0xb2: {  	v1 =	vand.u32 $0x3FFF, v0  }
0xb3: {  	v0 =	vshrl.u32 v0, $0xE;
	[tilespmem:$0x28C0] =	vst v1  }
0xb4: {  	[tilespmem:$0x2A80] =	vst v0  }
0xb5: {  	v0 =	vld [tilespmem:s16+$0xFFFFFFE0];
	_ =	sdelay $0x4  }
0xb6: {  	v1 =	vand.u32 $0x3FFF, v0  }
0xb7: {  	v0 =	vshrl.u32 v0, $0xE;
	[tilespmem:$0x28D0] =	vst v1  }
0xb8: {  	[tilespmem:$0x2A90] =	vst v0  }
0xb9: {  	v0 =	vld [tilespmem:s16+$0xFFFFFFF0];
	_ =	sdelay $0x4  }
0xba: {  	s14 =	simm.s32 $0xBC0;
	v1 =	vand.u32 $0x3FFF, v0;
	v0 =	vshrl.u32 v0, $0xE  }
.LBB2_8:
0xbb: {  	p5 =	sne.s32 s14, $0x9FC0;
	[tilespmem:$0x28E0] =	vst v1;
	s15 =	smov.u32 s14;
	s14 =	sadd.s32 $0x400, s14  }
0xbc: {  	[tilespmem:$0x2AA0] =	vst v0  }
0xbd: {  	v0 =	vld [tilespmem:s16+$0x0];
	_ =	sdelay $0x4  }
0xbe: {  	v1 =	vand.u32 $0x3FFF, v0;
	v0 =	vshrl.u32 v0, $0xE  }
0xbf: {  	[tilespmem:$0x28F0] =	vst v1  }
0xc0: {  	[tilespmem:$0x2AB0] =	vst v0  }
0xc1: {  	[tilespmem:s21], [sflag:$0x2] =	stream.indirect.gather [hbm4b:s1+s17], $0x80, s20, s17, $0xb8;
	[tilespmem:$0x1E700] =	vst v63  }
0xc2: {  	_ =	swait.ge [sflag:s22], $0x4000  }
0xc3: {  	[sflag:s22] =	ssyncset.done $0x0  }
0xc4: {  	[sflag:s22] =	ssyncadd.s32 $0xFFFFC000  }
0xc5: {  	[spmem:s2] =	stream.indirect.scatter.add.f32 [tilespmem:s19], [sflag:$0x3], $0x80, s24, s23, $0xb8;
	[tilespmem:$0x1E700] =	vst v63  }
0xc6: {  	_ = 	snop  }
0xc7: {  	[spmem:s2] =	stream.indirect.scatter.add.f32 [tilespmem:s26], [sflag:$0x4], $0x80, s25, s23, $0xb8;
	[tilespmem:$0x1E700] =	vst v63  }
0xc8: {  	_ =	swait.ge [sflag:s28], $0x2000  }
0xc9: {  	[sflag:s28] =	ssyncset.done $0x0  }
0xca: {  	[sflag:s28] =	ssyncadd.s32 $0xFFFFE000  }
0xcb: {  	_ =	swait.ge [sflag:s29], $0x2000  }
0xcc: {  	[sflag:s29] =	ssyncset.done $0x0  }
0xcd: {  	s16 =	sshra.s32 s15, $0x2;
	[sflag:s29] =	ssyncadd.s32 $0xFFFFE000  }
0xce: {  	v0 =	vld [tilespmem:s16+$0xFFFFFF10];
	_ =	sdelay $0x4  }
0xcf: {  	v1 =	vand.u32 $0x3FFF, v0;
	v0 =	vshrl.u32 v0, $0xE  }
0xd0: {  	[tilespmem:$0x2800] =	vst v1  }
0xd1: {  	[tilespmem:$0x2900] =	vst v0  }
0xd2: {  	v0 =	vld [tilespmem:s16+$0xFFFFFF20];
	_ =	sdelay $0x4  }
0xd3: {  	v1 =	vand.u32 $0x3FFF, v0;
	v0 =	vshrl.u32 v0, $0xE  }
0xd4: {  	[tilespmem:$0x2810] =	vst v1  }
0xd5: {  	[tilespmem:$0x2910] =	vst v0  }
0xd6: {  	v0 =	vld [tilespmem:s16+$0xFFFFFF30];
	_ =	sdelay $0x4  }
0xd7: {  	v1 =	vand.u32 $0x3FFF, v0;
	v0 =	vshrl.u32 v0, $0xE  }
0xd8: {  	[tilespmem:$0x2820] =	vst v1  }
0xd9: {  	[tilespmem:$0x2920] =	vst v0  }
0xda: {  	v0 =	vld [tilespmem:s16+$0xFFFFFF40];
	_ =	sdelay $0x4  }
0xdb: {  	v1 =	vand.u32 $0x3FFF, v0;
	v0 =	vshrl.u32 v0, $0xE  }
0xdc: {  	[tilespmem:$0x2830] =	vst v1  }
0xdd: {  	[tilespmem:$0x2930] =	vst v0  }
0xde: {  	v0 =	vld [tilespmem:s16+$0xFFFFFF50];
	_ =	sdelay $0x4  }
0xdf: {  	v1 =	vand.u32 $0x3FFF, v0;
	v0 =	vshrl.u32 v0, $0xE  }
0xe0: {  	[tilespmem:$0x2840] =	vst v1  }
0xe1: {  	[tilespmem:$0x2980] =	vst v0  }
0xe2: {  	v0 =	vld [tilespmem:s16+$0xFFFFFF60];
	_ =	sdelay $0x4  }
0xe3: {  	v1 =	vand.u32 $0x3FFF, v0;
	v0 =	vshrl.u32 v0, $0xE  }
0xe4: {  	[tilespmem:$0x2850] =	vst v1  }
0xe5: {  	[tilespmem:$0x2990] =	vst v0  }
0xe6: {  	v0 =	vld [tilespmem:s16+$0xFFFFFF70];
	_ =	sdelay $0x4  }
0xe7: {  	v1 =	vand.u32 $0x3FFF, v0;
	v0 =	vshrl.u32 v0, $0xE  }
0xe8: {  	[tilespmem:$0x2860] =	vst v1  }
0xe9: {  	[tilespmem:$0x29A0] =	vst v0  }
0xea: {  	v0 =	vld [tilespmem:s16+$0xFFFFFF80];
	_ =	sdelay $0x4  }
0xeb: {  	v1 =	vand.u32 $0x3FFF, v0;
	v0 =	vshrl.u32 v0, $0xE  }
0xec: {  	[tilespmem:$0x2870] =	vst v1  }
0xed: {  	[tilespmem:$0x29B0] =	vst v0  }
0xee: {  	[tilespmem:s19], [sflag:$0x1] =	stream.indirect.gather [hbm4b:s1+s17], $0x80, s18, s17, $0xb8;
	[tilespmem:$0x1E700] =	vst v63  }
0xef: {  	_ =	swait.ge [sflag:s30], $0x4000  }
0xf0: {  	[sflag:s30] =	ssyncset.done $0x0  }
0xf1: {  	[sflag:s30] =	ssyncadd.s32 $0xFFFFC000  }
0xf2: {  	[spmem:s2] =	stream.indirect.scatter.add.f32 [tilespmem:s21], [sflag:$0x5], $0x80, s31, s23, $0xb8;
	[tilespmem:$0x1E700] =	vst v63  }
0xf3: {  	_ = 	snop  }
0xf4: {  	[spmem:s2] =	stream.indirect.scatter.add.f32 [tilespmem:s3], [sflag:$0x6], $0x80, s0, s23, $0xb8;
	[tilespmem:$0x1E700] =	vst v63  }
0xf5: {  	_ =	swait.ge [sflag:s7], $0x2000  }
0xf6: {  	[sflag:s7] =	ssyncset.done $0x0  }
0xf7: {  	[sflag:s7] =	ssyncadd.s32 $0xFFFFE000  }
0xf8: {  	_ =	swait.ge [sflag:s4], $0x2000  }
0xf9: {  	[sflag:s4] =	ssyncset.done $0x0  }
0xfa: {  	[sflag:s4] =	ssyncadd.s32 $0xFFFFE000  }
0xfb: {  	v0 =	vld [tilespmem:s16+$0xFFFFFF90];
	_ =	sdelay $0x4  }
0xfc: {  	v1 =	vand.u32 $0x3FFF, v0;
	v0 =	vshrl.u32 v0, $0xE  }
0xfd: {  	[tilespmem:$0x2880] =	vst v1  }
0xfe: {  	[tilespmem:$0x2A00] =	vst v0  }
0xff: {  	v0 =	vld [tilespmem:s16+$0xFFFFFFA0];
	_ =	sdelay $0x4  }
0x100: {  	v1 =	vand.u32 $0x3FFF, v0;
	v0 =	vshrl.u32 v0, $0xE  }
0x101: {  	[tilespmem:$0x2890] =	vst v1  }
0x102: {  	[tilespmem:$0x2A10] =	vst v0  }
0x103: {  	v0 =	vld [tilespmem:s16+$0xFFFFFFB0];
	_ =	sdelay $0x4  }
0x104: {  	v1 =	vand.u32 $0x3FFF, v0;
	v0 =	vshrl.u32 v0, $0xE  }
0x105: {  	[tilespmem:$0x28A0] =	vst v1  }
0x106: {  	[tilespmem:$0x2A20] =	vst v0  }
0x107: {  	v0 =	vld [tilespmem:s16+$0xFFFFFFC0];
	_ =	sdelay $0x4  }
0x108: {  	v1 =	vand.u32 $0x3FFF, v0;
	v0 =	vshrl.u32 v0, $0xE  }
0x109: {  	[tilespmem:$0x28B0] =	vst v1  }
0x10a: {  	[tilespmem:$0x2A30] =	vst v0  }
0x10b: {  	v0 =	vld [tilespmem:s16+$0xFFFFFFD0];
	_ =	sdelay $0x4  }
0x10c: {  	v1 =	vand.u32 $0x3FFF, v0;
	v0 =	vshrl.u32 v0, $0xE  }
0x10d: {  	[tilespmem:$0x28C0] =	vst v1  }
0x10e: {  	[tilespmem:$0x2A80] =	vst v0  }
0x10f: {  	v0 =	vld [tilespmem:s16+$0xFFFFFFE0];
	_ =	sdelay $0x4  }
0x110: {  	v1 =	vand.u32 $0x3FFF, v0;
	v0 =	vshrl.u32 v0, $0xE  }
0x111: {  	[tilespmem:$0x28D0] =	vst v1  }
0x112: {  	[tilespmem:$0x2A90] =	vst v0  }
0x113: {  	v0 =	vld [tilespmem:s16+$0xFFFFFFF0]  }
.Ltmp5:
0x114: {  	(pc) =	sbr.rel @p5 .LBB2_8-.Ltmp5, $2  }
0x115: {  	_ =	sdelay $0x2  }
0x116: {  	v1 =	vand.u32 $0x3FFF, v0;
	v0 =	vshrl.u32 v0, $0xE  }
0x117: {  	[tilespmem:$0x28E0] =	vst v1  }
0x118: {  	[tilespmem:$0x2AA0] =	vst v0  }
0x119: {  	v0 =	vld [tilespmem:s16+$0x0];
	_ =	sdelay $0x4  }
0x11a: {  	v63 =	vand.u32 $0x3FFF, v0  }
0x11b: {  	v0 =	vshrl.u32 v0, $0xE;
	[tilespmem:$0x28F0] =	vst v63  }
0x11c: {  	[tilespmem:$0x2AB0] =	vst v0  }
0x11d: {  	[tilespmem:s21], [sflag:$0x2] =	stream.indirect.gather [hbm4b:s1+s17], $0x80, s20, s17, $0xb8;
	[tilespmem:$0x1E700] =	vst v63  }
0x11e: {  	_ =	swait.ge [sflag:s22], $0x4000  }
0x11f: {  	[sflag:s22] =	ssyncset.done $0x0  }
0x120: {  	[sflag:s22] =	ssyncadd.s32 $0xFFFFC000  }
0x121: {  	[spmem:s2] =	stream.indirect.scatter.add.f32 [tilespmem:s19], [sflag:$0x3], $0x80, s24, s23, $0xb8;
	[tilespmem:$0x1E700] =	vst v63  }
0x122: {  	_ = 	snop  }
0x123: {  	[spmem:s2] =	stream.indirect.scatter.add.f32 [tilespmem:s26], [sflag:$0x4], $0x80, s25, s23, $0xb8;
	[tilespmem:$0x1E700] =	vst v63  }
0x124: {  	_ =	swait.ge [sflag:s30], $0x4000  }
0x125: {  	[sflag:s30] =	ssyncset.done $0x0  }
0x126: {  	[sflag:s30] =	ssyncadd.s32 $0xFFFFC000  }
0x127: {  	[spmem:s2] =	stream.indirect.scatter.add.f32 [tilespmem:s21], [sflag:$0x5], $0x80, s31, s23, $0xb8;
	[tilespmem:$0x1E700] =	vst v63  }
0x128: {  	_ = 	snop  }
0x129: {  	[spmem:s2] =	stream.indirect.scatter.add.f32 [tilespmem:s3], [sflag:$0x6], $0x80, s0, s23, $0xb8;
	[tilespmem:$0x1E700] =	vst v63  }
0x12a: {  	_ =	swait.ge [sflag:s28], $0x2000  }
0x12b: {  	[sflag:s28] =	ssyncset.done $0x0  }
0x12c: {  	[sflag:s28] =	ssyncadd.s32 $0xFFFFE000  }
0x12d: {  	_ =	swait.ge [sflag:s29], $0x2000  }
0x12e: {  	[sflag:s29] =	ssyncset.done $0x0  }
0x12f: {  	[sflag:s29] =	ssyncadd.s32 $0xFFFFE000  }
0x130: {  	_ =	swait.ge [sflag:s7], $0x2000  }
0x131: {  	[sflag:s7] =	ssyncset.done $0x0  }
0x132: {  	[sflag:s7] =	ssyncadd.s32 $0xFFFFE000  }
0x133: {  	_ =	swait.ge [sflag:s4], $0x2000  }
0x134: {  	s8 =	sadd.s32 $0x1, s8;
	[sflag:s4] =	ssyncset.done $0x0  }
0x135: {  	p5 =	sne.s32 s8, s10;
	[sflag:s4] =	ssyncadd.s32 $0xFFFFE000  }
.Ltmp6:
0x136: {  	[bflag:$0x0] =	sbarrier.arrive $0xFFFF;
	(pc) =	sbr.rel @p5 .LBB2_1-.Ltmp6, $4  }
0x137: {  	[hbm:s9], [sflag:s12] =	dma.local [spmem:s13], $0x2780  }
0x138: {  	_ =	swait.ge [sflag:s11], $0x2780  }
0x139: {  	[sflag:s11] =	ssyncset.done $0x0  }
0x13a: {  	[sflag:s11] =	ssyncadd.s32 $0xFFFFD880  }
0x13b: {  	_ =	sfence.sel $0x180000  }
0x13c: {  	[bflag:$0x0] =	sbarrier.arrive $0xFFFF  }
0x13d: {  	_ =	strace $0x90000047  }
0x13e: {  	s0 =	stileid.u32;
	[bflag:$0x2] =	sbarrier.arrive $0xFFFF  }
0x13f: {  	p0 =	sne.s32 s0, $0x0;
	s0 =	rddreg [dreg:$0x4]  }
0x140: {  	s0 =	sadd.s32 @!p0 $0x100000, s0  }
0x141: {  	[sflag:s0] =	ssyncadd.tile.s32 @!p0 $0x1;
	_ =	shalt  }
.Lfunc_end2:
_tile_overlayer_lowered:
.L_overlay_start_2:
0x142: {  	(tag) =	ssettag $0x2  }
0x143: {  	s0 =	rddreg [dreg:$0x0];
	s2 =	stileid.u32  }
0x144: {  	s1 =	rddreg [dreg:$0x1];
	p0 =	sne.s32 s2, $0x0  }
0x145: {  	s3 =	rddreg [dreg:$0x2];
	[bflag:$0x3] =	sbarrier.arrive $0xFFFF;
	s2 =	simm.s32 @!p0 $0x1C07  }
0x146: {  	[timem:s3], [sflag:s2] =	dma.local @!p0 [hbm:s0], s1  }
0x147: {  	s0 =	simm.s32 @!p0 $0x7  }
0x148: {  	_ =	swait.ge @!p0 [sflag:s0], s1  }
0x149: {  	s1 =	ssub.s32 @!p0 $0x0, s1;
	[sflag:s0] =	ssyncset.done @!p0 $0x0  }
0x14a: {  	[sflag:s0] =	ssyncadd.s32 @!p0 s1  }
0x14b: {  	[bflag:$0x3] =	sbarrier.arrive $0xFFFF  }
0x14c: {  	_ =	shalt  }

</sc_bundles>
